<compile_context>
chip_gen: v7x
topology: tpu7x:2x2x1
jax: 0.10.2.dev20260603
libtpu: 0.0.44.dev20260713+nightly
codegen_flags: <defaults>
</compile_context>

<pallas_src>
import jax
import jax.numpy as jnp
from jax import lax
from jax.experimental import pallas as pl
from jax.experimental.pallas import tpu as pltpu
from jax.experimental.pallas import tpu_sc as plsc

VOCAB = 1000000
DIM = 64
BATCH = 16384
CTX = 20

NC = 2
NS = 16
NW = NC * NS
WPW = BATCH // NW
WCH = WPW // 128
CPW = BATCH * CTX // NW
CCH = CPW // 128


def _gather_loop(tbl, out, idx_v, n_chunks, rows_per_worker, wid,
                 rows0, rows1, sem0, sem1):
    pltpu.async_copy(tbl.at[idx_v.at[0]], rows0, sem0)

    def c_body(g, carry):
        j0 = 2 * g
        pltpu.async_copy(tbl.at[idx_v.at[j0 + 1]], rows1, sem1)
        pltpu.make_async_copy(tbl.at[idx_v.at[j0]], rows0, sem0).wait()
        pltpu.sync_copy(
            rows0, out.at[pl.ds(wid * rows_per_worker + j0 * 128, 128)])

        @pl.when(j0 + 2 < n_chunks)
        def _():
            pltpu.async_copy(tbl.at[idx_v.at[j0 + 2]], rows0, sem0)

        pltpu.make_async_copy(tbl.at[idx_v.at[j0 + 1]], rows1, sem1).wait()
        pltpu.sync_copy(
            rows1,
            out.at[pl.ds(wid * rows_per_worker + (j0 + 1) * 128, 128)])
        return carry

    lax.fori_loop(0, n_chunks // 2, c_body, 0)


def _make_body(n_chunks, rows_per_worker):
    def _body(idx_hbm, tbl, out,
              idx_v, rows0, rows1, sem0, sem1):
        wid = lax.axis_index("s") * NC + lax.axis_index("c")
        pltpu.sync_copy(idx_hbm.at[pl.ds(wid * n_chunks, n_chunks)], idx_v)
        _gather_loop(tbl, out, idx_v, n_chunks, rows_per_worker, wid,
                     rows0, rows1, sem0, sem1)
    return _body


def _gather_call(idx, tbl, n_chunks, rows_per_worker, n_rows):
    mesh = plsc.VectorSubcoreMesh(core_axis_name="c", subcore_axis_name="s")
    return pl.kernel(
        _make_body(n_chunks, rows_per_worker),
        mesh=mesh,
        out_type=jax.ShapeDtypeStruct((n_rows, DIM), jnp.float32),
        scratch_types=[
            pltpu.VMEM((n_chunks, 128), jnp.int32),
            pltpu.VMEM((128, DIM), jnp.float32),
            pltpu.VMEM((128, DIM), jnp.float32),
            pltpu.SemaphoreType.DMA,
            pltpu.SemaphoreType.DMA,
        ],
        compiler_params=pltpu.CompilerParams(
            use_tc_tiling_on_sc=False, skip_device_barrier=True),
    )(idx, tbl)


@jax.jit
def _run(widx, cidx, w_tbl, c_tbl):
    out_c = _gather_call(cidx, c_tbl, CCH, CPW, BATCH * CTX)
    out_w = _gather_call(widx, w_tbl, WCH, WPW, BATCH)
    return out_w, out_c


def kernel(words, contexts, w_embedding, c_embedding):
    widx = words.reshape(BATCH // 128, 128)
    cidx = contexts.reshape(BATCH * CTX // 128, 128)
    out_w, out_c = _run(widx, cidx, w_embedding, c_embedding)
    return out_w, out_c.reshape(BATCH, CTX, DIM)

# --- scband reference (transcript-rebuilt; emitter-appended) ---
"""Pipeline reference for scband-sgnsmodel-12953621364824 (READ-ONLY COPY).

The authoritative reference and input builder live on the scoring server;
editing this copy changes nothing except your own understanding.
"""

import jax, jax.numpy as jnp
import numpy as np

VOCAB = 1000000
DIM = 64
BATCH = 16384
CTX = 20

def setup_inputs(seed: int = 0) -> dict:
    key = jax.random.key(seed)
    k1, k2, k3, k4 = jax.random.split(key, 4)
    words = jax.random.randint(k1, (BATCH,), 0, VOCAB, dtype=jnp.int64 if jax.config.jax_enable_x64 else jnp.int32).astype(jnp.int32)
    contexts = jax.random.randint(k2, (BATCH, CTX), 0, VOCAB).astype(jnp.int32)
    w_embedding = (jax.random.normal(k3, (VOCAB, DIM), dtype=jnp.float32) * 0.02)
    c_embedding = (jax.random.normal(k4, (VOCAB, DIM), dtype=jnp.float32) * 0.02)
    return {"words": words, "contexts": contexts, "w_embedding": w_embedding, "c_embedding": c_embedding}

def reference(words, contexts, w_embedding, c_embedding):
    # forward_w: lookup center-word embeddings
    w_embeds = jnp.take(w_embedding, words, axis=0)            # [B, D]
    # forward_c: lookup context-word embeddings
    c_embeds = jnp.take(c_embedding, contexts, axis=0)         # [B, CTX, D]
    return (w_embeds, c_embeds)

if __name__ == "__main__":
    import jax
    _d = setup_inputs()
    print(jax.jit(kernel)(*tuple(_d.values())))

</pallas_src>

<mosaic_0001>
#map = affine_map<(d0, d1) -> (0, 0)>
module attributes {stable_mosaic.version = 14 : i64} {
  func.func @_body(%arg0: i32, %arg1: i32, %arg2: memref<128x128xi32, #tpu.memory_space<hbm>>, %arg3: memref<1000000x64xf32, #tpu.memory_space<hbm>>, %arg4: memref<16384x64xf32, #tpu.memory_space<hbm>>, %arg5: memref<4x128xi32, #tpu.memory_space<vmem>>, %arg6: memref<128x64xf32, #tpu.memory_space<vmem>>, %arg7: memref<128x64xf32, #tpu.memory_space<vmem>>, %arg8: memref<!tpu.dma_semaphore, #tpu.memory_space<semaphore_mem>>, %arg9: memref<!tpu.dma_semaphore, #tpu.memory_space<semaphore_mem>>) attributes {dimension_semantics = [#tpu.dimension_semantics<core_parallel>, #tpu.dimension_semantics<subcore_parallel>], iteration_bounds = array<i64: 2, 16>, scalar_prefetch = 0 : i64, scratch_operands = 5 : i64, tpu.core_type = #tpu.core_type<sc_vector_subcore>, window_params = [{transform_indices = #map}, {transform_indices = #map}, {transform_indices = #map}]} {
    %mul3A = arith.constant 2 : i32
    %mul3A_0 = arith.muli %arg1, %mul3A : i32
    %add3A = arith.addi %mul3A_0, %arg0 : i32
    %mul3A_1 = arith.constant 4 : i32
    %mul3A_2 = arith.muli %add3A, %mul3A_1 : i32
    "tpu.region"() ({
      %run_scoped3A = tpu.sem_alloc : memref<!tpu.dma_semaphore, #tpu.memory_space<semaphore_mem>>
      %dma_start3A_14 = arith.constant 0 : i32
      %dma_start3A_15 = tpu.memref_slice %arg2[%mul3A_2, %dma_start3A_14] : memref<128x128xi32, #tpu.memory_space<hbm>> -> memref<4x128xi32, #tpu.memory_space<hbm>>
      %dma_start3A_16 = arith.constant 0 : i32
      %dma_start3A_17 = tpu.memref_slice %arg2[%mul3A_2, %dma_start3A_16] : memref<128x128xi32, #tpu.memory_space<hbm>> -> memref<4x128xi32, #tpu.memory_space<hbm>>
      tpu.enqueue_dma source(%dma_start3A_17 : memref<4x128xi32, #tpu.memory_space<hbm>>) target(%arg5 : memref<4x128xi32, #tpu.memory_space<vmem>>) target_semaphore(%run_scoped3A : memref<!tpu.dma_semaphore, #tpu.memory_space<semaphore_mem>>)
      %dma_wait3A = arith.constant 0 : i32
      %dma_wait3A_18 = tpu.memref_slice %arg2[%mul3A_2, %dma_wait3A] : memref<128x128xi32, #tpu.memory_space<hbm>> -> memref<4x128xi32, #tpu.memory_space<hbm>>
      %dma_wait3A_19 = arith.constant 0 : i32
      %dma_wait3A_20 = tpu.memref_slice %arg2[%mul3A_2, %dma_wait3A_19] : memref<128x128xi32, #tpu.memory_space<hbm>> -> memref<4x128xi32, #tpu.memory_space<hbm>>
      tpu.wait_dma2 semaphore(%run_scoped3A : memref<!tpu.dma_semaphore, #tpu.memory_space<semaphore_mem>>) src(%dma_wait3A_20 : memref<4x128xi32, #tpu.memory_space<hbm>>) dst(%arg5 : memref<4x128xi32, #tpu.memory_space<vmem>>)
      tpu.yield
    }) : () -> ()
    %dma_start3A = arith.constant 0 : i32
    %dma_start3A_3 = arith.constant 0 : i32
    %dma_start3A_4 = tpu.memref_slice %arg5[%dma_start3A, %dma_start3A_3] : memref<4x128xi32, #tpu.memory_space<vmem>> -> memref<1x128xi32, #tpu.memory_space<vmem>>
    %dma_start3A_5 = tpu.memref_squeeze %dma_start3A_4 : memref<1x128xi32, #tpu.memory_space<vmem>> -> memref<128xi32, #tpu.memory_space<vmem>>
    %dma_start3A_6 = arith.constant 0 : i32
    %dma_start3A_7 = arith.constant 0 : i32
    %dma_start3A_8 = tpu.memref_slice %arg3[%dma_start3A_6, %dma_start3A_7] : memref<1000000x64xf32, #tpu.memory_space<hbm>> -> memref<1000000x64xf32, #tpu.memory_space<hbm>>
    tpu.enqueue_indirect_dma source(%dma_start3A_8 : memref<1000000x64xf32, #tpu.memory_space<hbm>>) target(%arg6 : memref<128x64xf32, #tpu.memory_space<vmem>>) offsets(%dma_start3A_5 : memref<128xi32, #tpu.memory_space<vmem>>) semaphore(%arg8 : memref<!tpu.dma_semaphore, #tpu.memory_space<semaphore_mem>>)
    %scan3A = arith.constant 0 : i32
    %scan3A_9 = arith.constant 0 : i32
    %scan3A_10 = arith.constant 2 : i32
    %scan3A_11 = arith.addi %scan3A_9, %scan3A_10 : i32
    %scan3A_12 = arith.constant 1 : i32
    scf.for %scan3A_14 = %scan3A_9 to %scan3A_11 step %scan3A_12  : i32 {
      %mul3A_15 = arith.constant 2 : i32
      %mul3A_16 = arith.muli %mul3A_15, %scan3A_14 : i32
      %add3A_17 = arith.constant 1 : i32
      %add3A_18 = arith.addi %mul3A_16, %add3A_17 : i32
      %dma_start3A_19 = arith.constant 0 : i32
      %dma_start3A_20 = tpu.memref_slice %arg5[%add3A_18, %dma_start3A_19] : memref<4x128xi32, #tpu.memory_space<vmem>> -> memref<1x128xi32, #tpu.memory_space<vmem>>
      %dma_start3A_21 = tpu.memref_squeeze %dma_start3A_20 : memref<1x128xi32, #tpu.memory_space<vmem>> -> memref<128xi32, #tpu.memory_space<vmem>>
      %dma_start3A_22 = arith.constant 0 : i32
      %dma_start3A_23 = arith.constant 0 : i32
      %dma_start3A_24 = tpu.memref_slice %arg3[%dma_start3A_22, %dma_start3A_23] : memref<1000000x64xf32, #tpu.memory_space<hbm>> -> memref<1000000x64xf32, #tpu.memory_space<hbm>>
      tpu.enqueue_indirect_dma source(%dma_start3A_24 : memref<1000000x64xf32, #tpu.memory_space<hbm>>) target(%arg7 : memref<128x64xf32, #tpu.memory_space<vmem>>) offsets(%dma_start3A_21 : memref<128xi32, #tpu.memory_space<vmem>>) semaphore(%arg9 : memref<!tpu.dma_semaphore, #tpu.memory_space<semaphore_mem>>)
      %dma_wait3A = arith.constant 0 : i32
      %dma_wait3A_25 = tpu.memref_slice %arg5[%mul3A_16, %dma_wait3A] : memref<4x128xi32, #tpu.memory_space<vmem>> -> memref<1x128xi32, #tpu.memory_space<vmem>>
      %dma_wait3A_26 = tpu.memref_squeeze %dma_wait3A_25 : memref<1x128xi32, #tpu.memory_space<vmem>> -> memref<128xi32, #tpu.memory_space<vmem>>
      %dma_wait3A_27 = arith.constant 0 : i32
      %dma_wait3A_28 = arith.constant 0 : i32
      %dma_wait3A_29 = tpu.memref_slice %arg3[%dma_wait3A_27, %dma_wait3A_28] : memref<1000000x64xf32, #tpu.memory_space<hbm>> -> memref<1000000x64xf32, #tpu.memory_space<hbm>>
      tpu.wait_indirect_dma semaphore(%arg8 : memref<!tpu.dma_semaphore, #tpu.memory_space<semaphore_mem>>) src(%dma_wait3A_29 : memref<1000000x64xf32, #tpu.memory_space<hbm>>) dst(%arg6 : memref<128x64xf32, #tpu.memory_space<vmem>>)
      %mul3A_30 = arith.constant 512 : i32
      %mul3A_31 = arith.muli %add3A, %mul3A_30 : i32
      %mul3A_32 = arith.constant 128 : i32
      %mul3A_33 = arith.muli %mul3A_16, %mul3A_32 : i32
      %add3A_34 = arith.addi %mul3A_31, %mul3A_33 : i32
      "tpu.region"() ({
        %run_scoped3A = tpu.sem_alloc : memref<!tpu.dma_semaphore, #tpu.memory_space<semaphore_mem>>
        %dma_start3A_54 = arith.constant 0 : i32
        %dma_start3A_55 = tpu.memref_slice %arg4[%add3A_34, %dma_start3A_54] : memref<16384x64xf32, #tpu.memory_space<hbm>> -> memref<128x64xf32, #tpu.memory_space<hbm>>
        %dma_start3A_56 = arith.constant 0 : i32
        %dma_start3A_57 = tpu.memref_slice %arg4[%add3A_34, %dma_start3A_56] : memref<16384x64xf32, #tpu.memory_space<hbm>> -> memref<128x64xf32, #tpu.memory_space<hbm>>
        tpu.enqueue_dma source(%arg6 : memref<128x64xf32, #tpu.memory_space<vmem>>) target(%dma_start3A_57 : memref<128x64xf32, #tpu.memory_space<hbm>>) target_semaphore(%run_scoped3A : memref<!tpu.dma_semaphore, #tpu.memory_space<semaphore_mem>>)
        %dma_wait3A_58 = arith.constant 0 : i32
        %dma_wait3A_59 = tpu.memref_slice %arg4[%add3A_34, %dma_wait3A_58] : memref<16384x64xf32, #tpu.memory_space<hbm>> -> memref<128x64xf32, #tpu.memory_space<hbm>>
        %dma_wait3A_60 = arith.constant 0 : i32
        %dma_wait3A_61 = tpu.memref_slice %arg4[%add3A_34, %dma_wait3A_60] : memref<16384x64xf32, #tpu.memory_space<hbm>> -> memref<128x64xf32, #tpu.memory_space<hbm>>
        tpu.wait_dma2 semaphore(%run_scoped3A : memref<!tpu.dma_semaphore, #tpu.memory_space<semaphore_mem>>) src(%arg6 : memref<128x64xf32, #tpu.memory_space<vmem>>) dst(%dma_wait3A_61 : memref<128x64xf32, #tpu.memory_space<hbm>>)
        tpu.yield
      }) : () -> ()
      %add3A_35 = arith.constant 2 : i32
      %add3A_36 = arith.addi %mul3A_16, %add3A_35 : i32
      %lt3A = arith.constant 4 : i32
      %lt3A_37 = arith.cmpi slt, %add3A_36, %lt3A : i32
      %convert_element_type3A = arith.extui %lt3A_37 : i1 to i32
      %cond3A = arith.constant 0 : i32
      %cond3A_38 = arith.cmpi ne, %convert_element_type3A, %cond3A : i32
      scf.if %cond3A_38 {
        %add3A_54 = arith.constant 2 : i32
        %add3A_55 = arith.addi %mul3A_16, %add3A_54 : i32
        %dma_start3A_56 = arith.constant 0 : i32
        %dma_start3A_57 = tpu.memref_slice %arg5[%add3A_55, %dma_start3A_56] : memref<4x128xi32, #tpu.memory_space<vmem>> -> memref<1x128xi32, #tpu.memory_space<vmem>>
        %dma_start3A_58 = tpu.memref_squeeze %dma_start3A_57 : memref<1x128xi32, #tpu.memory_space<vmem>> -> memref<128xi32, #tpu.memory_space<vmem>>
        %dma_start3A_59 = arith.constant 0 : i32
        %dma_start3A_60 = arith.constant 0 : i32
        %dma_start3A_61 = tpu.memref_slice %arg3[%dma_start3A_59, %dma_start3A_60] : memref<1000000x64xf32, #tpu.memory_space<hbm>> -> memref<1000000x64xf32, #tpu.memory_space<hbm>>
        tpu.enqueue_indirect_dma source(%dma_start3A_61 : memref<1000000x64xf32, #tpu.memory_space<hbm>>) target(%arg6 : memref<128x64xf32, #tpu.memory_space<vmem>>) offsets(%dma_start3A_58 : memref<128xi32, #tpu.memory_space<vmem>>) semaphore(%arg8 : memref<!tpu.dma_semaphore, #tpu.memory_space<semaphore_mem>>)
      } else {
      }
      %add3A_39 = arith.constant 1 : i32
      %add3A_40 = arith.addi %mul3A_16, %add3A_39 : i32
      %dma_wait3A_41 = arith.constant 0 : i32
      %dma_wait3A_42 = tpu.memref_slice %arg5[%add3A_40, %dma_wait3A_41] : memref<4x128xi32, #tpu.memory_space<vmem>> -> memref<1x128xi32, #tpu.memory_space<vmem>>
      %dma_wait3A_43 = tpu.memref_squeeze %dma_wait3A_42 : memref<1x128xi32, #tpu.memory_space<vmem>> -> memref<128xi32, #tpu.memory_space<vmem>>
      %dma_wait3A_44 = arith.constant 0 : i32
      %dma_wait3A_45 = arith.constant 0 : i32
      %dma_wait3A_46 = tpu.memref_slice %arg3[%dma_wait3A_44, %dma_wait3A_45] : memref<1000000x64xf32, #tpu.memory_space<hbm>> -> memref<1000000x64xf32, #tpu.memory_space<hbm>>
      tpu.wait_indirect_dma semaphore(%arg9 : memref<!tpu.dma_semaphore, #tpu.memory_space<semaphore_mem>>) src(%dma_wait3A_46 : memref<1000000x64xf32, #tpu.memory_space<hbm>>) dst(%arg7 : memref<128x64xf32, #tpu.memory_space<vmem>>)
      %mul3A_47 = arith.constant 512 : i32
      %mul3A_48 = arith.muli %add3A, %mul3A_47 : i32
      %add3A_49 = arith.constant 1 : i32
      %add3A_50 = arith.addi %mul3A_16, %add3A_49 : i32
      %mul3A_51 = arith.constant 128 : i32
      %mul3A_52 = arith.muli %add3A_50, %mul3A_51 : i32
      %add3A_53 = arith.addi %mul3A_48, %mul3A_52 : i32
      "tpu.region"() ({
        %run_scoped3A = tpu.sem_alloc : memref<!tpu.dma_semaphore, #tpu.memory_space<semaphore_mem>>
        %dma_start3A_54 = arith.constant 0 : i32
        %dma_start3A_55 = tpu.memref_slice %arg4[%add3A_53, %dma_start3A_54] : memref<16384x64xf32, #tpu.memory_space<hbm>> -> memref<128x64xf32, #tpu.memory_space<hbm>>
        %dma_start3A_56 = arith.constant 0 : i32
        %dma_start3A_57 = tpu.memref_slice %arg4[%add3A_53, %dma_start3A_56] : memref<16384x64xf32, #tpu.memory_space<hbm>> -> memref<128x64xf32, #tpu.memory_space<hbm>>
        tpu.enqueue_dma source(%arg7 : memref<128x64xf32, #tpu.memory_space<vmem>>) target(%dma_start3A_57 : memref<128x64xf32, #tpu.memory_space<hbm>>) target_semaphore(%run_scoped3A : memref<!tpu.dma_semaphore, #tpu.memory_space<semaphore_mem>>)
        %dma_wait3A_58 = arith.constant 0 : i32
        %dma_wait3A_59 = tpu.memref_slice %arg4[%add3A_53, %dma_wait3A_58] : memref<16384x64xf32, #tpu.memory_space<hbm>> -> memref<128x64xf32, #tpu.memory_space<hbm>>
        %dma_wait3A_60 = arith.constant 0 : i32
        %dma_wait3A_61 = tpu.memref_slice %arg4[%add3A_53, %dma_wait3A_60] : memref<16384x64xf32, #tpu.memory_space<hbm>> -> memref<128x64xf32, #tpu.memory_space<hbm>>
        tpu.wait_dma2 semaphore(%run_scoped3A : memref<!tpu.dma_semaphore, #tpu.memory_space<semaphore_mem>>) src(%arg7 : memref<128x64xf32, #tpu.memory_space<vmem>>) dst(%dma_wait3A_61 : memref<128x64xf32, #tpu.memory_space<hbm>>)
        tpu.yield
      }) : () -> ()
    }
    %scan3A_13 = arith.constant 2 : i32
    return
  }
}

#map = affine_map<(d0, d1) -> (0, 0)>
module attributes {stable_mosaic.version = 14 : i64} {
  func.func @_body(%arg0: i32, %arg1: i32, %arg2: memref<2560x128xi32, #tpu.memory_space<hbm>>, %arg3: memref<1000000x64xf32, #tpu.memory_space<hbm>>, %arg4: memref<327680x64xf32, #tpu.memory_space<hbm>>, %arg5: memref<80x128xi32, #tpu.memory_space<vmem>>, %arg6: memref<128x64xf32, #tpu.memory_space<vmem>>, %arg7: memref<128x64xf32, #tpu.memory_space<vmem>>, %arg8: memref<!tpu.dma_semaphore, #tpu.memory_space<semaphore_mem>>, %arg9: memref<!tpu.dma_semaphore, #tpu.memory_space<semaphore_mem>>) attributes {dimension_semantics = [#tpu.dimension_semantics<core_parallel>, #tpu.dimension_semantics<subcore_parallel>], iteration_bounds = array<i64: 2, 16>, scalar_prefetch = 0 : i64, scratch_operands = 5 : i64, tpu.core_type = #tpu.core_type<sc_vector_subcore>, window_params = [{transform_indices = #map}, {transform_indices = #map}, {transform_indices = #map}]} {
    %mul3A = arith.constant 2 : i32
    %mul3A_0 = arith.muli %arg1, %mul3A : i32
    %add3A = arith.addi %mul3A_0, %arg0 : i32
    %mul3A_1 = arith.constant 80 : i32
    %mul3A_2 = arith.muli %add3A, %mul3A_1 : i32
    "tpu.region"() ({
      %run_scoped3A = tpu.sem_alloc : memref<!tpu.dma_semaphore, #tpu.memory_space<semaphore_mem>>
      %dma_start3A_14 = arith.constant 0 : i32
      %dma_start3A_15 = tpu.memref_slice %arg2[%mul3A_2, %dma_start3A_14] : memref<2560x128xi32, #tpu.memory_space<hbm>> -> memref<80x128xi32, #tpu.memory_space<hbm>>
      %dma_start3A_16 = arith.constant 0 : i32
      %dma_start3A_17 = tpu.memref_slice %arg2[%mul3A_2, %dma_start3A_16] : memref<2560x128xi32, #tpu.memory_space<hbm>> -> memref<80x128xi32, #tpu.memory_space<hbm>>
      tpu.enqueue_dma source(%dma_start3A_17 : memref<80x128xi32, #tpu.memory_space<hbm>>) target(%arg5 : memref<80x128xi32, #tpu.memory_space<vmem>>) target_semaphore(%run_scoped3A : memref<!tpu.dma_semaphore, #tpu.memory_space<semaphore_mem>>)
      %dma_wait3A = arith.constant 0 : i32
      %dma_wait3A_18 = tpu.memref_slice %arg2[%mul3A_2, %dma_wait3A] : memref<2560x128xi32, #tpu.memory_space<hbm>> -> memref<80x128xi32, #tpu.memory_space<hbm>>
      %dma_wait3A_19 = arith.constant 0 : i32
      %dma_wait3A_20 = tpu.memref_slice %arg2[%mul3A_2, %dma_wait3A_19] : memref<2560x128xi32, #tpu.memory_space<hbm>> -> memref<80x128xi32, #tpu.memory_space<hbm>>
      tpu.wait_dma2 semaphore(%run_scoped3A : memref<!tpu.dma_semaphore, #tpu.memory_space<semaphore_mem>>) src(%dma_wait3A_20 : memref<80x128xi32, #tpu.memory_space<hbm>>) dst(%arg5 : memref<80x128xi32, #tpu.memory_space<vmem>>)
      tpu.yield
    }) : () -> ()
    %dma_start3A = arith.constant 0 : i32
    %dma_start3A_3 = arith.constant 0 : i32
    %dma_start3A_4 = tpu.memref_slice %arg5[%dma_start3A, %dma_start3A_3] : memref<80x128xi32, #tpu.memory_space<vmem>> -> memref<1x128xi32, #tpu.memory_space<vmem>>
    %dma_start3A_5 = tpu.memref_squeeze %dma_start3A_4 : memref<1x128xi32, #tpu.memory_space<vmem>> -> memref<128xi32, #tpu.memory_space<vmem>>
    %dma_start3A_6 = arith.constant 0 : i32
    %dma_start3A_7 = arith.constant 0 : i32
    %dma_start3A_8 = tpu.memref_slice %arg3[%dma_start3A_6, %dma_start3A_7] : memref<1000000x64xf32, #tpu.memory_space<hbm>> -> memref<1000000x64xf32, #tpu.memory_space<hbm>>
    tpu.enqueue_indirect_dma source(%dma_start3A_8 : memref<1000000x64xf32, #tpu.memory_space<hbm>>) target(%arg6 : memref<128x64xf32, #tpu.memory_space<vmem>>) offsets(%dma_start3A_5 : memref<128xi32, #tpu.memory_space<vmem>>) semaphore(%arg8 : memref<!tpu.dma_semaphore, #tpu.memory_space<semaphore_mem>>)
    %scan3A = arith.constant 0 : i32
    %scan3A_9 = arith.constant 0 : i32
    %scan3A_10 = arith.constant 40 : i32
    %scan3A_11 = arith.addi %scan3A_9, %scan3A_10 : i32
    %scan3A_12 = arith.constant 1 : i32
    scf.for %scan3A_14 = %scan3A_9 to %scan3A_11 step %scan3A_12  : i32 {
      %mul3A_15 = arith.constant 2 : i32
      %mul3A_16 = arith.muli %mul3A_15, %scan3A_14 : i32
      %add3A_17 = arith.constant 1 : i32
      %add3A_18 = arith.addi %mul3A_16, %add3A_17 : i32
      %dma_start3A_19 = arith.constant 0 : i32
      %dma_start3A_20 = tpu.memref_slice %arg5[%add3A_18, %dma_start3A_19] : memref<80x128xi32, #tpu.memory_space<vmem>> -> memref<1x128xi32, #tpu.memory_space<vmem>>
      %dma_start3A_21 = tpu.memref_squeeze %dma_start3A_20 : memref<1x128xi32, #tpu.memory_space<vmem>> -> memref<128xi32, #tpu.memory_space<vmem>>
      %dma_start3A_22 = arith.constant 0 : i32
      %dma_start3A_23 = arith.constant 0 : i32
      %dma_start3A_24 = tpu.memref_slice %arg3[%dma_start3A_22, %dma_start3A_23] : memref<1000000x64xf32, #tpu.memory_space<hbm>> -> memref<1000000x64xf32, #tpu.memory_space<hbm>>
      tpu.enqueue_indirect_dma source(%dma_start3A_24 : memref<1000000x64xf32, #tpu.memory_space<hbm>>) target(%arg7 : memref<128x64xf32, #tpu.memory_space<vmem>>) offsets(%dma_start3A_21 : memref<128xi32, #tpu.memory_space<vmem>>) semaphore(%arg9 : memref<!tpu.dma_semaphore, #tpu.memory_space<semaphore_mem>>)
      %dma_wait3A = arith.constant 0 : i32
      %dma_wait3A_25 = tpu.memref_slice %arg5[%mul3A_16, %dma_wait3A] : memref<80x128xi32, #tpu.memory_space<vmem>> -> memref<1x128xi32, #tpu.memory_space<vmem>>
      %dma_wait3A_26 = tpu.memref_squeeze %dma_wait3A_25 : memref<1x128xi32, #tpu.memory_space<vmem>> -> memref<128xi32, #tpu.memory_space<vmem>>
      %dma_wait3A_27 = arith.constant 0 : i32
      %dma_wait3A_28 = arith.constant 0 : i32
      %dma_wait3A_29 = tpu.memref_slice %arg3[%dma_wait3A_27, %dma_wait3A_28] : memref<1000000x64xf32, #tpu.memory_space<hbm>> -> memref<1000000x64xf32, #tpu.memory_space<hbm>>
      tpu.wait_indirect_dma semaphore(%arg8 : memref<!tpu.dma_semaphore, #tpu.memory_space<semaphore_mem>>) src(%dma_wait3A_29 : memref<1000000x64xf32, #tpu.memory_space<hbm>>) dst(%arg6 : memref<128x64xf32, #tpu.memory_space<vmem>>)
      %mul3A_30 = arith.constant 10240 : i32
      %mul3A_31 = arith.muli %add3A, %mul3A_30 : i32
      %mul3A_32 = arith.constant 128 : i32
      %mul3A_33 = arith.muli %mul3A_16, %mul3A_32 : i32
      %add3A_34 = arith.addi %mul3A_31, %mul3A_33 : i32
      "tpu.region"() ({
        %run_scoped3A = tpu.sem_alloc : memref<!tpu.dma_semaphore, #tpu.memory_space<semaphore_mem>>
        %dma_start3A_54 = arith.constant 0 : i32
        %dma_start3A_55 = tpu.memref_slice %arg4[%add3A_34, %dma_start3A_54] : memref<327680x64xf32, #tpu.memory_space<hbm>> -> memref<128x64xf32, #tpu.memory_space<hbm>>
        %dma_start3A_56 = arith.constant 0 : i32
        %dma_start3A_57 = tpu.memref_slice %arg4[%add3A_34, %dma_start3A_56] : memref<327680x64xf32, #tpu.memory_space<hbm>> -> memref<128x64xf32, #tpu.memory_space<hbm>>
        tpu.enqueue_dma source(%arg6 : memref<128x64xf32, #tpu.memory_space<vmem>>) target(%dma_start3A_57 : memref<128x64xf32, #tpu.memory_space<hbm>>) target_semaphore(%run_scoped3A : memref<!tpu.dma_semaphore, #tpu.memory_space<semaphore_mem>>)
        %dma_wait3A_58 = arith.constant 0 : i32
        %dma_wait3A_59 = tpu.memref_slice %arg4[%add3A_34, %dma_wait3A_58] : memref<327680x64xf32, #tpu.memory_space<hbm>> -> memref<128x64xf32, #tpu.memory_space<hbm>>
        %dma_wait3A_60 = arith.constant 0 : i32
        %dma_wait3A_61 = tpu.memref_slice %arg4[%add3A_34, %dma_wait3A_60] : memref<327680x64xf32, #tpu.memory_space<hbm>> -> memref<128x64xf32, #tpu.memory_space<hbm>>
        tpu.wait_dma2 semaphore(%run_scoped3A : memref<!tpu.dma_semaphore, #tpu.memory_space<semaphore_mem>>) src(%arg6 : memref<128x64xf32, #tpu.memory_space<vmem>>) dst(%dma_wait3A_61 : memref<128x64xf32, #tpu.memory_space<hbm>>)
        tpu.yield
      }) : () -> ()
      %add3A_35 = arith.constant 2 : i32
      %add3A_36 = arith.addi %mul3A_16, %add3A_35 : i32
      %lt3A = arith.constant 80 : i32
      %lt3A_37 = arith.cmpi slt, %add3A_36, %lt3A : i32
      %convert_element_type3A = arith.extui %lt3A_37 : i1 to i32
      %cond3A = arith.constant 0 : i32
      %cond3A_38 = arith.cmpi ne, %convert_element_type3A, %cond3A : i32
      scf.if %cond3A_38 {
        %add3A_54 = arith.constant 2 : i32
        %add3A_55 = arith.addi %mul3A_16, %add3A_54 : i32
        %dma_start3A_56 = arith.constant 0 : i32
        %dma_start3A_57 = tpu.memref_slice %arg5[%add3A_55, %dma_start3A_56] : memref<80x128xi32, #tpu.memory_space<vmem>> -> memref<1x128xi32, #tpu.memory_space<vmem>>
        %dma_start3A_58 = tpu.memref_squeeze %dma_start3A_57 : memref<1x128xi32, #tpu.memory_space<vmem>> -> memref<128xi32, #tpu.memory_space<vmem>>
        %dma_start3A_59 = arith.constant 0 : i32
        %dma_start3A_60 = arith.constant 0 : i32
        %dma_start3A_61 = tpu.memref_slice %arg3[%dma_start3A_59, %dma_start3A_60] : memref<1000000x64xf32, #tpu.memory_space<hbm>> -> memref<1000000x64xf32, #tpu.memory_space<hbm>>
        tpu.enqueue_indirect_dma source(%dma_start3A_61 : memref<1000000x64xf32, #tpu.memory_space<hbm>>) target(%arg6 : memref<128x64xf32, #tpu.memory_space<vmem>>) offsets(%dma_start3A_58 : memref<128xi32, #tpu.memory_space<vmem>>) semaphore(%arg8 : memref<!tpu.dma_semaphore, #tpu.memory_space<semaphore_mem>>)
      } else {
      }
      %add3A_39 = arith.constant 1 : i32
      %add3A_40 = arith.addi %mul3A_16, %add3A_39 : i32
      %dma_wait3A_41 = arith.constant 0 : i32
      %dma_wait3A_42 = tpu.memref_slice %arg5[%add3A_40, %dma_wait3A_41] : memref<80x128xi32, #tpu.memory_space<vmem>> -> memref<1x128xi32, #tpu.memory_space<vmem>>
      %dma_wait3A_43 = tpu.memref_squeeze %dma_wait3A_42 : memref<1x128xi32, #tpu.memory_space<vmem>> -> memref<128xi32, #tpu.memory_space<vmem>>
      %dma_wait3A_44 = arith.constant 0 : i32
      %dma_wait3A_45 = arith.constant 0 : i32
      %dma_wait3A_46 = tpu.memref_slice %arg3[%dma_wait3A_44, %dma_wait3A_45] : memref<1000000x64xf32, #tpu.memory_space<hbm>> -> memref<1000000x64xf32, #tpu.memory_space<hbm>>
      tpu.wait_indirect_dma semaphore(%arg9 : memref<!tpu.dma_semaphore, #tpu.memory_space<semaphore_mem>>) src(%dma_wait3A_46 : memref<1000000x64xf32, #tpu.memory_space<hbm>>) dst(%arg7 : memref<128x64xf32, #tpu.memory_space<vmem>>)
      %mul3A_47 = arith.constant 10240 : i32
      %mul3A_48 = arith.muli %add3A, %mul3A_47 : i32
      %add3A_49 = arith.constant 1 : i32
      %add3A_50 = arith.addi %mul3A_16, %add3A_49 : i32
      %mul3A_51 = arith.constant 128 : i32
      %mul3A_52 = arith.muli %add3A_50, %mul3A_51 : i32
      %add3A_53 = arith.addi %mul3A_48, %mul3A_52 : i32
      "tpu.region"() ({
        %run_scoped3A = tpu.sem_alloc : memref<!tpu.dma_semaphore, #tpu.memory_space<semaphore_mem>>
        %dma_start3A_54 = arith.constant 0 : i32
        %dma_start3A_55 = tpu.memref_slice %arg4[%add3A_53, %dma_start3A_54] : memref<327680x64xf32, #tpu.memory_space<hbm>> -> memref<128x64xf32, #tpu.memory_space<hbm>>
        %dma_start3A_56 = arith.constant 0 : i32
        %dma_start3A_57 = tpu.memref_slice %arg4[%add3A_53, %dma_start3A_56] : memref<327680x64xf32, #tpu.memory_space<hbm>> -> memref<128x64xf32, #tpu.memory_space<hbm>>
        tpu.enqueue_dma source(%arg7 : memref<128x64xf32, #tpu.memory_space<vmem>>) target(%dma_start3A_57 : memref<128x64xf32, #tpu.memory_space<hbm>>) target_semaphore(%run_scoped3A : memref<!tpu.dma_semaphore, #tpu.memory_space<semaphore_mem>>)
        %dma_wait3A_58 = arith.constant 0 : i32
        %dma_wait3A_59 = tpu.memref_slice %arg4[%add3A_53, %dma_wait3A_58] : memref<327680x64xf32, #tpu.memory_space<hbm>> -> memref<128x64xf32, #tpu.memory_space<hbm>>
        %dma_wait3A_60 = arith.constant 0 : i32
        %dma_wait3A_61 = tpu.memref_slice %arg4[%add3A_53, %dma_wait3A_60] : memref<327680x64xf32, #tpu.memory_space<hbm>> -> memref<128x64xf32, #tpu.memory_space<hbm>>
        tpu.wait_dma2 semaphore(%run_scoped3A : memref<!tpu.dma_semaphore, #tpu.memory_space<semaphore_mem>>) src(%arg7 : memref<128x64xf32, #tpu.memory_space<vmem>>) dst(%dma_wait3A_61 : memref<128x64xf32, #tpu.memory_space<hbm>>)
        tpu.yield
      }) : () -> ()
    }
    %scan3A_13 = arith.constant 40 : i32
    return
  }
}

</mosaic_0001>

<sc_bundles>
// kernel: _run.4.cloned.1.call-start
scs
__scs_entry_jumppad:
0x0: {  	(pc) =	sbr.rel $0x88, $3  }
0x1: {  	(tag) =	ssettag $0x0;
	lr =	simm.s32 $0x1  }
0x2: {  	[smem:$0x3F9D] =	sst lr;
	_ =	strace $0xD0000000  }
0x3: {  	_ = 	snop  }
0x4: {  	_ = 	snop  }
0x5: {  	_ = 	snop  }
0x6: {  	_ = 	snop  }
0x7: {  	_ = 	snop  }
__scs_overlays_trampoline_lowered:
0x8: {  	[smem:$0x3FAC] =	sst s0  }
0x9: {  	[smem:$0x3FAD] =	sst s1  }
0xa: {  	[smem:$0x3FAE] =	sst s2  }
0xb: {  	[smem:$0x3FAF] =	sst s3  }
0xc: {  	[smem:$0x3FB0] =	sst s4  }
0xd: {  	[smem:$0x3FB1] =	sst s5  }
0xe: {  	[smem:$0x3FB2] =	sst s6  }
0xf: {  	[smem:$0x3FB3] =	sst s7  }
0x10: {  	[smem:$0x3FB4] =	sst s8  }
0x11: {  	[smem:$0x3FB5] =	sst s9;
	s0 =	simm.s32 @!p0 $0x0  }
0x12: {  	s1 =	sld [smem:$0x3F9B];
	s0 =	simm.s32 @p0 $0x1  }
0x13: {  	[smem:$0x3FB6] =	sst s0;
	s0 =	simm.s32 @!p1 $0x0  }
0x14: {  	s2 =	sld [smem:$0x3F9A];
	s0 =	simm.s32 @p1 $0x1  }
0x15: {  	[smem:$0x3FB7] =	sst s0;
	s0 =	simm.s32 @!p2 $0x0  }
0x16: {  	s3 =	sld [smem:$0x3FDB];
	s0 =	simm.s32 @p2 $0x1  }
0x17: {  	s4 =	simm.s32 $0x1BF5;
	[smem:$0x3FB9] =	sst s0  }
0x18: {  	s0 =	sld [smem:$0x3F9C];
	_ =	swait.ge [sflag:s4], $0x0  }
0x19: {  	s7 =	sld [smem:$0x3F9D]  }
0x1a: {  	s8 =	sadd.s32 $0xFFFFE003, lr  }
0x1b: {  	s9 =	sadd.s32 $0xFFFFFEF7, lr;
	s5 =	simm.s32 $0xFFFFFFFF;
	p2 =	slt.u32 s8, $0xFFFFF086  }
0x1c: {  	p1 =	slt.u32 s9, $0xF7A;
	s5 =	simm.s32 @!p2 $0x0  }
0x1d: {  	s5 =	simm.s32 @p1 $0x1;
	p0 =	seq.s32 s7, s2  }
0x1e: {  	s7 =	smul.u32 @!p0 $0xF7A, s2;
	p2 =	seq.s32 @!p0 s5, $0x0  }
0x1f: {  	s9 =	smul.u32 $0xF7A, s1;
	s8 =	simm.s32 @!p0 $0x1BF5;
	p2 =	por !p2, p0  }
0x20: {  	[sflag:s8] =	ssyncset.s32 @!p0 $0xFFFFF086;
	s6 =	sadd.s32 @!p0 s3, s7;
	s7 =	simm.s32 @!p0 $0x108  }
0x21: {  	s3 =	sadd.s32 s3, s9;
	s6 =	sadd.s32 @!p0 $0x88, s6;
	s7 =	simm.s32 @p2 $0x1082  }
0x22: {  	[simem:s7], [sflag:s8] =	dma.local @!p0 [hbm:s6], $0xF7A  }
0x23: {  	s9 =	sor.u32 $0xD0000000, s2;
	s6 =	simm.s32 $0x108;
	_ =	swait.ge @!p0 [sflag:s8], $0x0  }
0x24: {  	s3 =	sadd.s32 $0x88, s3;
	s6 =	simm.s32 @!p1 $0x1082;
	[sflag:s4] =	ssyncset.s32 $0xFFFFF086  }
0x25: {  	[simem:s6], [sflag:s4] =	dma.local [hbm:s3], $0xF7A  }
0x26: {  	[smem:$0x3F9D] =	sst s1;
	(tag) =	ssettag s2;
	_ =	strace s9  }
0x27: {  	s1 =	sld [smem:$0x3FAD]  }
0x28: {  	s2 =	sld [smem:$0x3FAE]  }
0x29: {  	s4 =	sld [smem:$0x3FB0]  }
0x2a: {  	p0 =	seq.s32 s5, $0x0;
	s5 =	sld [smem:$0x3FB1]  }
0x2b: {  	s6 =	sld [smem:$0x3FB2]  }
0x2c: {  	s7 =	sld [smem:$0x3FB3]  }
0x2d: {  	s3 =	simm.s32 $0x108;
	s8 =	sld [smem:$0x3FB4]  }
0x2e: {  	s3 =	simm.s32 @!p0 $0x1082;
	s9 =	sld [smem:$0x3FB5]  }
0x2f: {  	lr =	sadd.s32 s0, s3;
	s0 =	sld [smem:$0x3FAC]  }
0x30: {  	s3 =	sld [smem:$0x3FAF]  }
0x31: {  	[smem:$0x3FB8] =	sst s10  }
0x32: {  	s10 =	sld [smem:$0x3FB6];
	_ =	sdelay $0x3  }
0x33: {  	p0 =	seq.s32 s10, $0x1;
	s10 =	sld [smem:$0x3FB8];
	_ =	sdelay $0x3  }
0x34: {  	[smem:$0x3FB8] =	sst s10  }
0x35: {  	s10 =	sld [smem:$0x3FB7];
	_ =	sdelay $0x3  }
0x36: {  	p1 =	seq.s32 s10, $0x1;
	s10 =	sld [smem:$0x3FB8];
	_ =	sdelay $0x3  }
0x37: {  	[smem:$0x3FB8] =	sst s10  }
0x38: {  	s10 =	sld [smem:$0x3FB9]  }
0x39: {  	_ = 	snop;
	(pc) =	sbr.ind lr, $3  }
0x3a: {  	_ = 	snop  }
0x3b: {  	_ = 	snop  }
0x3c: {  	p2 =	seq.s32 s10, $0x1;
	s10 =	sld [smem:$0x3FB8]  }
0x3d: {  	_ =	shalt  }
0x3e: {  	_ =	shalt  }
0x3f: {  	_ =	shalt  }
0x40: {  	_ =	shalt  }
0x41: {  	_ =	shalt  }
0x42: {  	_ =	shalt  }
0x43: {  	_ =	shalt  }
0x44: {  	_ =	shalt  }
0x45: {  	_ =	shalt  }
0x46: {  	_ =	shalt  }
0x47: {  	_ =	shalt  }
0x48: {  	_ =	shalt  }
0x49: {  	_ =	shalt  }
0x4a: {  	_ =	shalt  }
0x4b: {  	_ =	shalt  }
0x4c: {  	_ =	shalt  }
0x4d: {  	_ =	shalt  }
0x4e: {  	_ =	shalt  }
0x4f: {  	_ =	shalt  }
0x50: {  	_ =	shalt  }
0x51: {  	_ =	shalt  }
0x52: {  	_ =	shalt  }
0x53: {  	_ =	shalt  }
0x54: {  	_ =	shalt  }
0x55: {  	_ =	shalt  }
0x56: {  	_ =	shalt  }
0x57: {  	_ =	shalt  }
0x58: {  	_ =	shalt  }
0x59: {  	_ =	shalt  }
0x5a: {  	_ =	shalt  }
0x5b: {  	_ =	shalt  }
0x5c: {  	_ =	shalt  }
0x5d: {  	_ =	shalt  }
0x5e: {  	_ =	shalt  }
0x5f: {  	_ =	shalt  }
0x60: {  	_ =	shalt  }
0x61: {  	_ =	shalt  }
0x62: {  	_ =	shalt  }
0x63: {  	_ =	shalt  }
0x64: {  	_ =	shalt  }
0x65: {  	_ =	shalt  }
0x66: {  	_ =	shalt  }
0x67: {  	_ =	shalt  }
0x68: {  	_ =	shalt  }
0x69: {  	_ =	shalt  }
0x6a: {  	_ =	shalt  }
0x6b: {  	_ =	shalt  }
0x6c: {  	_ =	shalt  }
0x6d: {  	_ =	shalt  }
0x6e: {  	_ =	shalt  }
0x6f: {  	_ =	shalt  }
0x70: {  	_ =	shalt  }
0x71: {  	_ =	shalt  }
0x72: {  	_ =	shalt  }
0x73: {  	_ =	shalt  }
0x74: {  	_ =	shalt  }
0x75: {  	_ =	shalt  }
0x76: {  	_ =	shalt  }
0x77: {  	_ =	shalt  }
0x78: {  	_ =	shalt  }
0x79: {  	_ =	shalt  }
0x7a: {  	_ =	shalt  }
0x7b: {  	_ =	shalt  }
0x7c: {  	_ =	shalt  }
0x7d: {  	_ =	shalt  }
0x7e: {  	_ =	shalt  }
0x7f: {  	_ =	shalt  }
0x80: {  	_ =	shalt  }
0x81: {  	_ =	shalt  }
0x82: {  	_ =	shalt  }
0x83: {  	_ =	shalt  }
0x84: {  	_ =	shalt  }
0x85: {  	_ =	shalt  }
0x86: {  	_ =	shalt  }
0x87: {  	_ =	shalt  }
.Lfunc_end0:
.L_simem_size_0:
called_computation.1_lowered:
.L_overlay_start_0:
0x88: {  	s2 =	sld [smem:$0x3FD9]  }
0x89: {  	s3 =	sld [smem:$0x3FFE];
	_ =	sdelay $0x1  }
0x8a: {  	s1 =	srdreg.scid  }
0x8b: {  	s0 =	sand.u32 $0x1, s1  }
0x8c: {  	s14 =	sshll.u32 s0, $0xA;
	s2 =	sadd.s32 s3, s2  }
0x8d: {  	s2 =	sadd.s32 s2, s14  }
0x8e: {  	[smem:$0x3FC4] =	sst s2  }
0x8f: {  	_ = 	snop  }
0x90: {  	s2 =	sld [smem:$0x3FD0];
	_ =	sdelay $0x2  }
0x91: {  	s4 =	simm.s32 $0xB;
	s5 =	simm.s32 $0x10;
	s15 =	sld [smem:$0x3FC8]  }
0x92: {  	[smem:s5], [sflag:s4] =	dma.local [hbm:s2], $0x1  }
0x93: {  	_ =	swait.eq [sflag:s4], $0x1  }
0x94: {  	[sflag:s4] =	ssyncset.done $0x0  }
0x95: {  	[sflag:s4] =	ssyncadd.s32 $0xFFFFFFFF  }
0x96: {  	s16 =	sld [smem:$0x11];
	(tm) =	ssettm $0x1  }
0x97: {  	s17 =	sld [smem:$0x3FFB];
	_ =	sdelay $0x3  }
0x98: {  	_ =	strace s17  }
0x99: {  	s4 =	sld [smem:$0x3FFC];
	_ =	sdelay $0x3  }
0x9a: {  	_ =	strace s4  }
0x9b: {  	s4 =	sld [smem:$0x3FFD];
	_ =	sdelay $0x3  }
0x9c: {  	_ =	strace s4  }
0x9d: {  	_ =	strace $0x8FFFFFFF  }
0x9e: {  	s18 =	sld [smem:$0x3FDB];
	_ =	sdelay $0x1  }
0x9f: {  	s19 =	simm.s32 $_scs_section_size  }
0xa0: {  	s6 =	simm.s32 $_size__tile_overlayer_lowered;
	s7 =	simm.s32 $_tile_overlayer_lowered  }
0xa1: {  	s22 =	simm.s32 $0x1BFF;
	s21 =	sshll.u32 s7, $0x1;
	s4 =	sadd.s32 s19, s18  }
0xa2: {  	s8 =	simm.s32 $0x0;
	s20 =	sshll.u32 s6, $0x1;
	s6 =	sadd.s32 s21, s4  }
0xa3: {  	[timem:s8], [sflag:s22] =	dma.local [hbm:s6], s20  }
0xa4: {  	_ =	swait.ge [sflag:s22], s20  }
0xa5: {  	s5 =	ssub.s32 $0x0, s20;
	[sflag:s22] =	ssyncset.done $0x0  }
0xa6: {  	[sflag:s22] =	ssyncadd.s32 s5;
	_ =	sdelay $0x1  }
0xa7: {  	s23 =	simm.s32 $0x1B8B  }
0xa8: {  	_ =	swait.ge [sflag:s23], $0x1  }
0xa9: {  	[sflag:s23] =	ssyncset.done $0x0  }
0xaa: {  	s25 =	simm.s32 $0x1B8E;
	s24 =	sld [smem:$0x3FFE];
	[sflag:s23] =	ssyncadd.s32 $0xFFFFFFFF  }
0xab: {  	s26 =	simm.s32 $execute0_lowered;
	[smem:$0x3FD2] =	sst s25  }
0xac: {  	s6 =	sshll.u32 s26, $0x1;
	_ =	strace $0x80000046;
	[dreg:$0x1] =	wrdreg $0xFFFFFFFF  }
0xad: {  	s28 =	simm.s32 $_size_execute0_lowered;
	s4 =	sadd.s32 s4, s6;
	[dreg:$0x0] =	wrdreg $0x0  }
0xae: {  	s6 =	sshll.u32 s28, $0x1;
	[dreg:$0x2] =	wrdreg s4  }
0xaf: {  	[dreg:$0x3] =	wrdreg s6  }
0xb0: {  	[dreg:$0x4] =	wrdreg $0xC0  }
0xb1: {  	_ =	task [dreg:s8], $0x5FFFF  }
0xb2: {  	[dreg:$0x1] =	wrdreg $0xFFFFFFFF  }
0xb3: {  	[dreg:$0x0] =	wrdreg $0x60  }
0xb4: {  	[dreg:$0x2] =	wrdreg s15  }
0xb5: {  	[dreg:$0x3] =	wrdreg s24  }
0xb6: {  	[dreg:$0x4] =	wrdreg s16  }
0xb7: {  	[dreg:$0x5] =	wrdreg $0xA  }
0xb8: {  	_ =	task.clear_ibuf [dreg:s8], $0x6FFFF;
	_ =	strace $0x90000046  }
0xb9: {  	s29 =	simm.s32 $0xA;
	_ =	strace $0x80000048  }
0xba: {  	_ =	swait.ge [sflag:s29], $0x1  }
0xbb: {  	[sflag:s29] =	ssyncadd.s32 $0xFFFFFFFF  }
0xbc: {  	_ =	strace $0x90000048  }
0xbd: {  	_ =	sfence  }
0xbe: {  	s30 =	sld [smem:$0x0];
	_ =	sdelay $0x2  }
0xbf: {  	s31 =	sshll.u32 s1, $0xD;
	s1 =	sshrl.u32 s1, $0x2  }
0xc0: {  	s3 =	sand.u32 $0x4000, s31;
	s1 =	sadd.s32 s1, s30  }
0xc1: {  	s0 =	sor.u32 s3, s0;
	s1 =	sshll.u32 s1, $0x11  }
0xc2: {  	s0 =	sor.u32 s1, s0  }
0xc3: {  	s0 =	sadd.s32 $0x8F2B, s0  }
0xc4: {  	[sflag:s0] =	ssyncadd.remote.s32 $0x1  }
0xc5: {  	_ =	sfence.sel $0xFFFF  }
0xc6: {  	[dreg:$0x0] =	wrdreg $0xFFFFFFFF;
	(pc) =	sbr.abs _section_cstart, $3  }
0xc7: {  	[dreg:$0x1] =	wrdreg $0xFFFFFFFF  }
0xc8: {  	_ =	task.clear_ibuf [dreg:s8], $0x2FFFF;
	_ =	strace $0x9FFFFFFF  }
0xc9: {  	(tm) =	ssettm $0x7FFFFFFF  }
tec
execute0_lowered:
.L_overlay_start_1:
0x0: {  	(tag) =	ssettag $0x1  }
0x1: {  	s4 =	rddreg [dreg:$0x0]  }
0x2: {  	s1 =	srdreg.scid;
	s3 =	rddreg [dreg:$0x1]  }
0x3: {  	s0 =	stileid.u32;
	s9 =	rddreg [dreg:$0x2];
	s2 =	simm.s32 $0x0  }
0x4: {  	s14 =	simm.s32 $0x1;
	s15 =	simm.s32 $0x2;
	s11 =	smul.u32 $0x140000, s0  }
0x5: {  	s16 =	simm.s32 $0x2780;
	s5 =	sand.u32 $0x1, s1;
	s26 =	smul.u32 $0x5000, s0  }
0x6: {  	s17 =	simm.s32 $0x0;
	s25 =	sshll.u32 s0, $0x1;
	s13 =	smul.u32 $0xA0000, s5  }
0x7: {  	s1 =	rddreg [dreg:$0x3];
	s6 =	sor.u32 s5, s25;
	s29 =	smul.u32 $0x2800, s5  }
0x8: {  	[smem:$0x7FF] =	sst s2;
	s10 =	ssub.s32 $0x2, s5;
	s7 =	smul.u32 $0x500, s6  }
0x9: {  	s3 =	sadd.s32 $0xF43000, s3;
	s8 =	smul.u32 $0xA0000, s6;
	s12 =	sshrl.u32 s10, $0x1  }
0xa: {  	_ =	strace $0x80000047;
	s30 =	smul.u32 $0x14000, s6;
	s10 =	ssub.s32 s10, s12  }
0xb: {  	s31 =	sadd.s32 s13, s11;
	s13 =	simm.s32 $0x4800;
	s4 =	sadd.s32 s4, s7  }
0xc: {  	s28 =	sshrl.u32 s8, $0x3;
	s5 =	smax.u32 s10, $0x1;
	s8 =	sadd.s32 s29, s26  }
0xd: {  	s10 =	sadd.s32 s9, s30;
	s11 =	sshrl.u32 s31, $0x3;
	s7 =	sadd.s32 s9, s28  }
0xe: {  	s12 =	sshll.u32 s8, $0x3;
	s8 =	sadd.s32 s11, s9;
	s11 =	simm.s32 $0x2800  }
0xf: {  	s6 =	sadd.s32 $0x13800, s7;
	s7 =	sadd.s32 $0x13C00, s10;
	s9 =	sadd.s32 s12, s9  }
0x10: {  	s10 =	simm.s32 $0x3;
	s12 =	simm.s32 $0x80;
	s9 =	sadd.s32 $0x400, s9  }
.LBB2_1:
0x11: {  	[tilespmem:s2], [sflag:$0x3] =	stream.linear.gather [hbm4b:s4+s2], $0x2800, $0x38;
	[tilespmem:$0x6800] =	vst v63  }
0x12: {  	_ =	swait.ge [sflag:s10], $0x2800  }
0x13: {  	[sflag:s10] =	ssyncset.done $0x0  }
0x14: {  	[sflag:s10] =	ssyncadd.s32 $0xFFFFD800  }
0x15: {  	[tilespmem:s11], [sflag:$0x1] =	stream.indirect.gather [hbm4b:s3+s12], $0x40, s2, s12, $0xb8;
	[tilespmem:$0x6800] =	vst v63  }
0x16: {  	_ = 	snop  }
0x17: {  	[tilespmem:s13], [sflag:$0x2] =	stream.indirect.gather [hbm4b:s3+s12], $0x40, s12, s12, $0xb8;
	[tilespmem:$0x6800] =	vst v63  }
0x18: {  	_ =	swait.ge [sflag:s14], $0x2000  }
0x19: {  	[sflag:s14] =	ssyncset.done $0x0  }
0x1a: {  	s18 =	sadd.s32 $0x0, s8;
	[sflag:s14] =	ssyncadd.s32 $0xFFFFE000  }
0x1b: {  	[hbm4b:s18+s2] =	stream.linear.scatter [tilespmem:s11], [sflag:$0x3], $0x2000, $0x38;
	[tilespmem:$0x6800] =	vst v63  }
0x1c: {  	_ =	swait.ge [sflag:s10], $0x2000  }
0x1d: {  	[sflag:s10] =	ssyncset.done $0x0  }
0x1e: {  	s30 =	simm.s32 $0x100;
	[sflag:s10] =	ssyncadd.s32 $0xFFFFE000  }
0x1f: {  	[tilespmem:s11], [sflag:$0x1] =	stream.indirect.gather [hbm4b:s3+s12], $0x40, s30, s12, $0xb8;
	[tilespmem:$0x6800] =	vst v63  }
0x20: {  	_ =	swait.ge [sflag:s15], $0x2000  }
0x21: {  	[sflag:s15] =	ssyncset.done $0x0  }
0x22: {  	s31 =	sadd.s32 $0x0, s9;
	[sflag:s15] =	ssyncadd.s32 $0xFFFFE000  }
0x23: {  	[hbm4b:s31+s2] =	stream.linear.scatter [tilespmem:s13], [sflag:$0x3], $0x2000, $0x38;
	[tilespmem:$0x6800] =	vst v63  }
0x24: {  	_ =	swait.ge [sflag:s10], $0x2000  }
0x25: {  	s19 =	simm.s32 $0x80;
	s18 =	simm.s32 $0x800;
	[sflag:s10] =	ssyncset.done $0x0  }
.LBB2_2:
0x26: {  	p0 =	sne.s32 s18, $0x13000;
	[sflag:s10] =	ssyncadd.s32 $0xFFFFE000;
	s19 =	sadd.s32 $0x100, s19  }
0x27: {  	[tilespmem:s13], [sflag:$0x2] =	stream.indirect.gather [hbm4b:s3+s12], $0x40, s19, s12, $0xb8;
	[tilespmem:$0x6800] =	vst v63  }
0x28: {  	s20 =	smov.u32 s18;
	s18 =	sadd.s32 $0x800, s18;
	_ =	swait.ge [sflag:s14], $0x2000  }
0x29: {  	[sflag:s14] =	ssyncset.done $0x0  }
0x2a: {  	s21 =	sadd.s32 s20, s8;
	[sflag:s14] =	ssyncadd.s32 $0xFFFFE000  }
0x2b: {  	[hbm4b:s21+s2] =	stream.linear.scatter [tilespmem:s11], [sflag:$0x3], $0x2000, $0x38;
	[tilespmem:$0x6800] =	vst v63  }
0x2c: {  	_ =	swait.ge [sflag:s10], $0x2000  }
0x2d: {  	[sflag:s10] =	ssyncset.done $0x0  }
0x2e: {  	s21 =	sadd.s32 $0x80, s19;
	[sflag:s10] =	ssyncadd.s32 $0xFFFFE000  }
0x2f: {  	[tilespmem:s11], [sflag:$0x1] =	stream.indirect.gather [hbm4b:s3+s12], $0x40, s21, s12, $0xb8;
	[tilespmem:$0x6800] =	vst v63  }
0x30: {  	_ =	swait.ge [sflag:s15], $0x2000  }
.Ltmp0:
0x31: {  	[sflag:s15] =	ssyncset.done $0x0;
	(pc) =	sbr.rel @p0 .LBB2_2-.Ltmp0, $4  }
0x32: {  	s20 =	sadd.s32 s20, s9;
	[sflag:s15] =	ssyncadd.s32 $0xFFFFE000  }
0x33: {  	[hbm4b:s20+s2] =	stream.linear.scatter [tilespmem:s13], [sflag:$0x3], $0x2000, $0x38;
	[tilespmem:$0x6800] =	vst v63  }
0x34: {  	_ =	swait.ge [sflag:s10], $0x2000  }
0x35: {  	[sflag:s10] =	ssyncset.done $0x0  }
0x36: {  	[sflag:s10] =	ssyncadd.s32 $0xFFFFE000  }
0x37: {  	[tilespmem:s13], [sflag:$0x2] =	stream.indirect.gather [hbm4b:s3+s12], $0x40, s16, s12, $0xb8;
	[tilespmem:$0x6800] =	vst v63  }
0x38: {  	_ =	swait.ge [sflag:s14], $0x2000  }
0x39: {  	[sflag:s14] =	ssyncset.done $0x0  }
0x3a: {  	[sflag:s14] =	ssyncadd.s32 $0xFFFFE000  }
0x3b: {  	[hbm4b:s6+s2] =	stream.linear.scatter [tilespmem:s11], [sflag:$0x3], $0x2000, $0x38;
	[tilespmem:$0x6800] =	vst v63  }
0x3c: {  	_ =	swait.ge [sflag:s10], $0x2000  }
0x3d: {  	[sflag:s10] =	ssyncset.done $0x0  }
0x3e: {  	[sflag:s10] =	ssyncadd.s32 $0xFFFFE000  }
0x3f: {  	s17 =	sadd.s32 $0x1, s17;
	_ =	swait.ge [sflag:s15], $0x2000  }
0x40: {  	p0 =	sne.s32 s17, s5;
	[sflag:s15] =	ssyncset.done $0x0  }
.Ltmp1:
0x41: {  	[sflag:s15] =	ssyncadd.s32 $0xFFFFE000;
	(pc) =	sbr.rel @p0 .LBB2_1-.Ltmp1, $4  }
0x42: {  	[hbm4b:s7+s2] =	stream.linear.scatter [tilespmem:s13], [sflag:$0x3], $0x2000, $0x38;
	[tilespmem:$0x6800] =	vst v63  }
0x43: {  	_ =	swait.ge [sflag:s10], $0x2000  }
0x44: {  	[sflag:s10] =	ssyncset.done $0x0  }
0x45: {  	[sflag:s10] =	ssyncadd.s32 $0xFFFFE000  }
0x46: {  	_ =	sfence.sel $0x180000  }
0x47: {  	[bflag:$0x0] =	sbarrier.arrive $0xFFFF  }
0x48: {  	p0 =	sne.s32 s0, $0x0;
	_ =	strace $0x90000047  }
0x49: {  	s0 =	sadd.s32 @!p0 $0x100000, s1;
	[bflag:$0x2] =	sbarrier.arrive $0xFFFF  }
0x4a: {  	[sflag:s0] =	ssyncadd.tile.s32 @!p0 $0x1;
	_ =	shalt  }
.Lfunc_end2:
_tile_overlayer_lowered:
.L_overlay_start_2:
0x4b: {  	(tag) =	ssettag $0x2  }
0x4c: {  	s0 =	rddreg [dreg:$0x0];
	s2 =	stileid.u32  }
0x4d: {  	s1 =	rddreg [dreg:$0x1];
	p0 =	sne.s32 s2, $0x0  }
0x4e: {  	s3 =	rddreg [dreg:$0x2];
	[bflag:$0x3] =	sbarrier.arrive $0xFFFF;
	s2 =	simm.s32 @!p0 $0x1C03  }
0x4f: {  	[timem:s3], [sflag:s2] =	dma.local @!p0 [hbm:s0], s1  }
0x50: {  	s0 =	simm.s32 @!p0 $0x3  }
0x51: {  	_ =	swait.ge @!p0 [sflag:s0], s1  }
0x52: {  	s1 =	ssub.s32 @!p0 $0x0, s1;
	[sflag:s0] =	ssyncset.done @!p0 $0x0  }
0x53: {  	[sflag:s0] =	ssyncadd.s32 @!p0 s1  }
0x54: {  	[bflag:$0x3] =	sbarrier.arrive $0xFFFF  }
0x55: {  	_ =	shalt  }

// kernel: _run.7.cloned.1.call-start
scs
__scs_entry_jumppad:
0x0: {  	(pc) =	sbr.rel $0x88, $3  }
0x1: {  	(tag) =	ssettag $0x0;
	lr =	simm.s32 $0x1  }
0x2: {  	[smem:$0x3F9D] =	sst lr;
	_ =	strace $0xD0000000  }
0x3: {  	_ = 	snop  }
0x4: {  	_ = 	snop  }
0x5: {  	_ = 	snop  }
0x6: {  	_ = 	snop  }
0x7: {  	_ = 	snop  }
__scs_overlays_trampoline_lowered:
0x8: {  	[smem:$0x3FAC] =	sst s0  }
0x9: {  	[smem:$0x3FAD] =	sst s1  }
0xa: {  	[smem:$0x3FAE] =	sst s2  }
0xb: {  	[smem:$0x3FAF] =	sst s3  }
0xc: {  	[smem:$0x3FB0] =	sst s4  }
0xd: {  	[smem:$0x3FB1] =	sst s5  }
0xe: {  	[smem:$0x3FB2] =	sst s6  }
0xf: {  	[smem:$0x3FB3] =	sst s7  }
0x10: {  	[smem:$0x3FB4] =	sst s8  }
0x11: {  	[smem:$0x3FB5] =	sst s9;
	s0 =	simm.s32 @!p0 $0x0  }
0x12: {  	s1 =	sld [smem:$0x3F9B];
	s0 =	simm.s32 @p0 $0x1  }
0x13: {  	[smem:$0x3FB6] =	sst s0;
	s0 =	simm.s32 @!p1 $0x0  }
0x14: {  	s2 =	sld [smem:$0x3F9A];
	s0 =	simm.s32 @p1 $0x1  }
0x15: {  	[smem:$0x3FB7] =	sst s0;
	s0 =	simm.s32 @!p2 $0x0  }
0x16: {  	s3 =	sld [smem:$0x3FDB];
	s0 =	simm.s32 @p2 $0x1  }
0x17: {  	s4 =	simm.s32 $0x1BF5;
	[smem:$0x3FB9] =	sst s0  }
0x18: {  	s0 =	sld [smem:$0x3F9C];
	_ =	swait.ge [sflag:s4], $0x0  }
0x19: {  	s7 =	sld [smem:$0x3F9D]  }
0x1a: {  	s8 =	sadd.s32 $0xFFFFE003, lr  }
0x1b: {  	s9 =	sadd.s32 $0xFFFFFEF7, lr;
	s5 =	simm.s32 $0xFFFFFFFF;
	p2 =	slt.u32 s8, $0xFFFFF086  }
0x1c: {  	p1 =	slt.u32 s9, $0xF7A;
	s5 =	simm.s32 @!p2 $0x0  }
0x1d: {  	s5 =	simm.s32 @p1 $0x1;
	p0 =	seq.s32 s7, s2  }
0x1e: {  	s7 =	smul.u32 @!p0 $0xF7A, s2;
	p2 =	seq.s32 @!p0 s5, $0x0  }
0x1f: {  	s9 =	smul.u32 $0xF7A, s1;
	s8 =	simm.s32 @!p0 $0x1BF5;
	p2 =	por !p2, p0  }
0x20: {  	[sflag:s8] =	ssyncset.s32 @!p0 $0xFFFFF086;
	s6 =	sadd.s32 @!p0 s3, s7;
	s7 =	simm.s32 @!p0 $0x108  }
0x21: {  	s3 =	sadd.s32 s3, s9;
	s6 =	sadd.s32 @!p0 $0x88, s6;
	s7 =	simm.s32 @p2 $0x1082  }
0x22: {  	[simem:s7], [sflag:s8] =	dma.local @!p0 [hbm:s6], $0xF7A  }
0x23: {  	s9 =	sor.u32 $0xD0000000, s2;
	s6 =	simm.s32 $0x108;
	_ =	swait.ge @!p0 [sflag:s8], $0x0  }
0x24: {  	s3 =	sadd.s32 $0x88, s3;
	s6 =	simm.s32 @!p1 $0x1082;
	[sflag:s4] =	ssyncset.s32 $0xFFFFF086  }
0x25: {  	[simem:s6], [sflag:s4] =	dma.local [hbm:s3], $0xF7A  }
0x26: {  	[smem:$0x3F9D] =	sst s1;
	(tag) =	ssettag s2;
	_ =	strace s9  }
0x27: {  	s1 =	sld [smem:$0x3FAD]  }
0x28: {  	s2 =	sld [smem:$0x3FAE]  }
0x29: {  	s4 =	sld [smem:$0x3FB0]  }
0x2a: {  	p0 =	seq.s32 s5, $0x0;
	s5 =	sld [smem:$0x3FB1]  }
0x2b: {  	s6 =	sld [smem:$0x3FB2]  }
0x2c: {  	s7 =	sld [smem:$0x3FB3]  }
0x2d: {  	s3 =	simm.s32 $0x108;
	s8 =	sld [smem:$0x3FB4]  }
0x2e: {  	s3 =	simm.s32 @!p0 $0x1082;
	s9 =	sld [smem:$0x3FB5]  }
0x2f: {  	lr =	sadd.s32 s0, s3;
	s0 =	sld [smem:$0x3FAC]  }
0x30: {  	s3 =	sld [smem:$0x3FAF]  }
0x31: {  	[smem:$0x3FB8] =	sst s10  }
0x32: {  	s10 =	sld [smem:$0x3FB6];
	_ =	sdelay $0x3  }
0x33: {  	p0 =	seq.s32 s10, $0x1;
	s10 =	sld [smem:$0x3FB8];
	_ =	sdelay $0x3  }
0x34: {  	[smem:$0x3FB8] =	sst s10  }
0x35: {  	s10 =	sld [smem:$0x3FB7];
	_ =	sdelay $0x3  }
0x36: {  	p1 =	seq.s32 s10, $0x1;
	s10 =	sld [smem:$0x3FB8];
	_ =	sdelay $0x3  }
0x37: {  	[smem:$0x3FB8] =	sst s10  }
0x38: {  	s10 =	sld [smem:$0x3FB9]  }
0x39: {  	_ = 	snop;
	(pc) =	sbr.ind lr, $3  }
0x3a: {  	_ = 	snop  }
0x3b: {  	_ = 	snop  }
0x3c: {  	p2 =	seq.s32 s10, $0x1;
	s10 =	sld [smem:$0x3FB8]  }
0x3d: {  	_ =	shalt  }
0x3e: {  	_ =	shalt  }
0x3f: {  	_ =	shalt  }
0x40: {  	_ =	shalt  }
0x41: {  	_ =	shalt  }
0x42: {  	_ =	shalt  }
0x43: {  	_ =	shalt  }
0x44: {  	_ =	shalt  }
0x45: {  	_ =	shalt  }
0x46: {  	_ =	shalt  }
0x47: {  	_ =	shalt  }
0x48: {  	_ =	shalt  }
0x49: {  	_ =	shalt  }
0x4a: {  	_ =	shalt  }
0x4b: {  	_ =	shalt  }
0x4c: {  	_ =	shalt  }
0x4d: {  	_ =	shalt  }
0x4e: {  	_ =	shalt  }
0x4f: {  	_ =	shalt  }
0x50: {  	_ =	shalt  }
0x51: {  	_ =	shalt  }
0x52: {  	_ =	shalt  }
0x53: {  	_ =	shalt  }
0x54: {  	_ =	shalt  }
0x55: {  	_ =	shalt  }
0x56: {  	_ =	shalt  }
0x57: {  	_ =	shalt  }
0x58: {  	_ =	shalt  }
0x59: {  	_ =	shalt  }
0x5a: {  	_ =	shalt  }
0x5b: {  	_ =	shalt  }
0x5c: {  	_ =	shalt  }
0x5d: {  	_ =	shalt  }
0x5e: {  	_ =	shalt  }
0x5f: {  	_ =	shalt  }
0x60: {  	_ =	shalt  }
0x61: {  	_ =	shalt  }
0x62: {  	_ =	shalt  }
0x63: {  	_ =	shalt  }
0x64: {  	_ =	shalt  }
0x65: {  	_ =	shalt  }
0x66: {  	_ =	shalt  }
0x67: {  	_ =	shalt  }
0x68: {  	_ =	shalt  }
0x69: {  	_ =	shalt  }
0x6a: {  	_ =	shalt  }
0x6b: {  	_ =	shalt  }
0x6c: {  	_ =	shalt  }
0x6d: {  	_ =	shalt  }
0x6e: {  	_ =	shalt  }
0x6f: {  	_ =	shalt  }
0x70: {  	_ =	shalt  }
0x71: {  	_ =	shalt  }
0x72: {  	_ =	shalt  }
0x73: {  	_ =	shalt  }
0x74: {  	_ =	shalt  }
0x75: {  	_ =	shalt  }
0x76: {  	_ =	shalt  }
0x77: {  	_ =	shalt  }
0x78: {  	_ =	shalt  }
0x79: {  	_ =	shalt  }
0x7a: {  	_ =	shalt  }
0x7b: {  	_ =	shalt  }
0x7c: {  	_ =	shalt  }
0x7d: {  	_ =	shalt  }
0x7e: {  	_ =	shalt  }
0x7f: {  	_ =	shalt  }
0x80: {  	_ =	shalt  }
0x81: {  	_ =	shalt  }
0x82: {  	_ =	shalt  }
0x83: {  	_ =	shalt  }
0x84: {  	_ =	shalt  }
0x85: {  	_ =	shalt  }
0x86: {  	_ =	shalt  }
0x87: {  	_ =	shalt  }
.Lfunc_end0:
.L_simem_size_0:
called_computation.2_lowered:
.L_overlay_start_0:
0x88: {  	s2 =	sld [smem:$0x3FD9]  }
0x89: {  	s3 =	sld [smem:$0x3FFE];
	_ =	sdelay $0x1  }
0x8a: {  	s1 =	srdreg.scid  }
0x8b: {  	s0 =	sand.u32 $0x1, s1  }
0x8c: {  	s15 =	sshll.u32 s0, $0xA;
	s2 =	sadd.s32 s3, s2  }
0x8d: {  	s2 =	sadd.s32 s2, s15  }
0x8e: {  	[smem:$0x3FC4] =	sst s2  }
0x8f: {  	_ = 	snop  }
0x90: {  	s16 =	sld [smem:$0x3FD0];
	_ =	sdelay $0x2  }
0x91: {  	s4 =	simm.s32 $0xB;
	s5 =	simm.s32 $0x10;
	s2 =	sld [smem:$0x3FC9]  }
0x92: {  	[smem:s5], [sflag:s4] =	dma.local [hbm:s16], $0x1  }
0x93: {  	_ =	swait.eq [sflag:s4], $0x1  }
0x94: {  	[sflag:s4] =	ssyncset.done $0x0  }
0x95: {  	[sflag:s4] =	ssyncadd.s32 $0xFFFFFFFF  }
0x96: {  	s17 =	sld [smem:$0x10];
	(tm) =	ssettm $0x1  }
0x97: {  	s18 =	sld [smem:$0x3FFB];
	_ =	sdelay $0x3  }
0x98: {  	_ =	strace s18  }
0x99: {  	s3 =	sld [smem:$0x3FFC];
	_ =	sdelay $0x3  }
0x9a: {  	_ =	strace s3  }
0x9b: {  	s3 =	sld [smem:$0x3FFD];
	_ =	sdelay $0x3  }
0x9c: {  	_ =	strace s3  }
0x9d: {  	_ =	strace $0x8FFFFFFF  }
0x9e: {  	s19 =	sld [smem:$0x3FDB];
	_ =	sdelay $0x1  }
0x9f: {  	s20 =	simm.s32 $_scs_section_size  }
0xa0: {  	s6 =	simm.s32 $_size__tile_overlayer_lowered;
	s7 =	simm.s32 $_tile_overlayer_lowered  }
0xa1: {  	s8 =	simm.s32 $0x1BFF;
	s21 =	sshll.u32 s7, $0x1;
	s5 =	sadd.s32 s20, s19  }
0xa2: {  	s22 =	simm.s32 $0x0;
	s6 =	sshll.u32 s6, $0x1;
	s7 =	sadd.s32 s21, s5  }
0xa3: {  	[timem:s22], [sflag:s8] =	dma.local [hbm:s7], s6  }
0xa4: {  	_ =	swait.ge [sflag:s8], s6  }
0xa5: {  	s6 =	ssub.s32 $0x0, s6;
	[sflag:s8] =	ssyncset.done $0x0  }
0xa6: {  	[sflag:s8] =	ssyncadd.s32 s6;
	_ =	sdelay $0x1  }
0xa7: {  	s23 =	simm.s32 $0x1B8B  }
0xa8: {  	_ =	swait.ge [sflag:s23], $0x1  }
0xa9: {  	[sflag:s23] =	ssyncset.done $0x0  }
0xaa: {  	[sflag:s23] =	ssyncadd.s32 $0xFFFFFFFF  }
0xab: {  	s6 =	sld [smem:$0x0]  }
0xac: {  	s7 =	sand.u32 $0xFFFFFFFE, s1  }
0xad: {  	p0 =	sne.s32 s1, s7  }
0xae: {  	s7 =	sshll.u32 @p0 s7, $0xE  }
0xaf: {  	s7 =	sadd.s32 @p0 $0x11B8D, s7;
	s8 =	sshll.u32 @p0 s6, $0x11  }
0xb0: {  	s7 =	sor.u32 @p0 s8, s7  }
0xb1: {  	[sflag:s7] =	ssyncadd.remote.s32 @p0 $0x1;
	_ =	sdelay $0x1  }
0xb2: {  	s7 =	simm.s32 @p0 $0x1B8D  }
0xb3: {  	_ =	swait.eq @p0 [sflag:s7], $0x1  }
0xb4: {  	[sflag:s7] =	ssyncadd.s32 @p0 $0xFFFFFFFF  }
0xb5: {  	s8 =	sshll.u32 @!p0 s1, $0xE  }
0xb6: {  	s8 =	sor.u32 @!p0 $0x4000, s8;
	s7 =	simm.s32 @!p0 $0x1B8D  }
0xb7: {  	s6 =	sshll.u32 @!p0 s6, $0x11;
	s8 =	sadd.s32 @!p0 $0x11B8D, s8;
	_ =	swait.eq @!p0 [sflag:s7], $0x1  }
0xb8: {  	s6 =	sor.u32 @!p0 s6, s8;
	[sflag:s7] =	ssyncadd.s32 @!p0 $0xFFFFFFFF  }
0xb9: {  	s25 =	simm.s32 $0x1B8E;
	s24 =	sld [smem:$0x3FFE];
	[sflag:s6] =	ssyncadd.remote.s32 @!p0 $0x1  }
0xba: {  	s26 =	simm.s32 $execute0_lowered;
	[smem:$0x3FD2] =	sst s25  }
0xbb: {  	s7 =	sshll.u32 s26, $0x1;
	_ =	strace $0x80000049;
	[dreg:$0x1] =	wrdreg $0xFFFFFFFF  }
0xbc: {  	s28 =	simm.s32 $_size_execute0_lowered;
	s5 =	sadd.s32 s5, s7;
	[dreg:$0x0] =	wrdreg $0x0  }
0xbd: {  	s7 =	sshll.u32 s28, $0x1;
	[dreg:$0x2] =	wrdreg s5  }
0xbe: {  	[dreg:$0x3] =	wrdreg s7  }
0xbf: {  	[dreg:$0x4] =	wrdreg $0xC0  }
0xc0: {  	_ =	task [dreg:s22], $0x5FFFF  }
0xc1: {  	[dreg:$0x1] =	wrdreg $0xFFFFFFFF  }
0xc2: {  	[dreg:$0x0] =	wrdreg $0x60  }
0xc3: {  	[dreg:$0x2] =	wrdreg s2  }
0xc4: {  	[dreg:$0x3] =	wrdreg s24  }
0xc5: {  	[dreg:$0x4] =	wrdreg s17  }
0xc6: {  	[dreg:$0x5] =	wrdreg $0x9  }
0xc7: {  	_ =	task.clear_ibuf [dreg:s22], $0x6FFFF;
	_ =	strace $0x90000049  }
0xc8: {  	s29 =	simm.s32 $0x9;
	_ =	strace $0x8000004B  }
0xc9: {  	_ =	swait.ge [sflag:s29], $0x1  }
0xca: {  	[sflag:s29] =	ssyncadd.s32 $0xFFFFFFFF  }
0xcb: {  	_ =	strace $0x9000004B  }
0xcc: {  	_ =	sfence  }
0xcd: {  	s30 =	sld [smem:$0x0];
	_ =	sdelay $0x2  }
0xce: {  	s31 =	sshll.u32 s1, $0xD;
	s1 =	sshrl.u32 s1, $0x2  }
0xcf: {  	s4 =	sand.u32 $0x4000, s31;
	s1 =	sadd.s32 s1, s30  }
0xd0: {  	s0 =	sor.u32 s4, s0;
	s1 =	sshll.u32 s1, $0x11  }
0xd1: {  	s0 =	sor.u32 s1, s0  }
0xd2: {  	s0 =	sadd.s32 $0x8F2B, s0  }
0xd3: {  	[sflag:s0] =	ssyncadd.remote.s32 $0x1  }
0xd4: {  	_ =	sfence.sel $0xFFFF  }
0xd5: {  	[dreg:$0x0] =	wrdreg $0xFFFFFFFF;
	(pc) =	sbr.abs _section_cstart, $3  }
0xd6: {  	[dreg:$0x1] =	wrdreg $0xFFFFFFFF  }
0xd7: {  	_ =	task.clear_ibuf [dreg:s22], $0x2FFFF;
	_ =	strace $0x9FFFFFFF  }
0xd8: {  	(tm) =	ssettm $0x7FFFFFFF  }
0xd9: {  	_ =	shalt  }
tec
execute0_lowered:
.L_overlay_start_1:
0x0: {  	(tag) =	ssettag $0x1  }
0x1: {  	s3 =	rddreg [dreg:$0x0]  }
0x2: {  	s5 =	rddreg [dreg:$0x1]  }
0x3: {  	s1 =	srdreg.scid;
	s0 =	stileid.u32  }
0x4: {  	s10 =	rddreg [dreg:$0x2];
	s16 =	sand.u32 $0x1, s1;
	s4 =	sshll.u32 s0, $0x1  }
0x5: {  	s2 =	simm.s32 $0x0;
	s1 =	rddreg [dreg:$0x3];
	s11 =	sor.u32 s16, s4  }
0x6: {  	[smem:$0x7FF] =	sst s2;
	s4 =	sshll.u32 s11, $0x6  }
0x7: {  	_ =	strace $0x8000004A;
	s4 =	sadd.s32 s3, s4;
	s3 =	simm.s32 $0x3  }
0x8: {  	[tilespmem:s2], [sflag:$0x3] =	stream.linear.gather [hbm4b:s4+s2], $0x200, $0x38;
	[tilespmem:$0x4200] =	vst v63  }
0x9: {  	_ =	swait.ge [sflag:s3], $0x200  }
0xa: {  	s6 =	simm.s32 $0x80;
	[sflag:s3] =	ssyncset.done $0x0  }
0xb: {  	s7 =	simm.s32 $0x200;
	s5 =	sadd.s32 $0x16E4200, s5;
	[sflag:s3] =	ssyncadd.s32 $0xFFFFFE00  }
0xc: {  	[tilespmem:s7], [sflag:$0x1] =	stream.indirect.gather [hbm4b:s5+s6], $0x40, s2, s6, $0xb8;
	[tilespmem:$0x4200] =	vst v63  }
0xd: {  	s8 =	simm.s32 $0x2200;
	s9 =	simm.s32 $0x1  }
0xe: {  	[tilespmem:s8], [sflag:$0x2] =	stream.indirect.gather [hbm4b:s5+s6], $0x40, s6, s6, $0xb8;
	[tilespmem:$0x4200] =	vst v63  }
0xf: {  	_ =	swait.ge [sflag:s9], $0x2000  }
0x10: {  	s11 =	sshll.u32 s11, $0xC;
	[sflag:s9] =	ssyncset.done $0x0  }
0x11: {  	s10 =	sadd.s32 s10, s11;
	[sflag:s9] =	ssyncadd.s32 $0xFFFFE000  }
0x12: {  	[hbm4b:s10+s2] =	stream.linear.scatter [tilespmem:s7], [sflag:$0x3], $0x2000, $0x38;
	[tilespmem:$0x4200] =	vst v63  }
0x13: {  	_ =	swait.ge [sflag:s3], $0x2000  }
0x14: {  	[sflag:s3] =	ssyncset.done $0x0  }
0x15: {  	s12 =	simm.s32 $0x2;
	s11 =	simm.s32 $0x100;
	[sflag:s3] =	ssyncadd.s32 $0xFFFFE000  }
0x16: {  	[tilespmem:s7], [sflag:$0x1] =	stream.indirect.gather [hbm4b:s5+s6], $0x40, s11, s6, $0xb8;
	[tilespmem:$0x4200] =	vst v63  }
0x17: {  	_ =	swait.ge [sflag:s12], $0x2000  }
0x18: {  	[sflag:s12] =	ssyncset.done $0x0  }
0x19: {  	s13 =	sadd.s32 $0x400, s10;
	[sflag:s12] =	ssyncadd.s32 $0xFFFFE000  }
0x1a: {  	[hbm4b:s13+s2] =	stream.linear.scatter [tilespmem:s8], [sflag:$0x3], $0x2000, $0x38;
	[tilespmem:$0x4200] =	vst v63  }
0x1b: {  	_ =	swait.ge [sflag:s3], $0x2000  }
0x1c: {  	[sflag:s3] =	ssyncset.done $0x0  }
0x1d: {  	s14 =	simm.s32 $0x180;
	[sflag:s3] =	ssyncadd.s32 $0xFFFFE000  }
0x1e: {  	[tilespmem:s8], [sflag:$0x2] =	stream.indirect.gather [hbm4b:s5+s6], $0x40, s14, s6, $0xb8;
	[tilespmem:$0x4200] =	vst v63  }
0x1f: {  	_ =	swait.ge [sflag:s9], $0x2000  }
0x20: {  	[sflag:s9] =	ssyncset.done $0x0  }
0x21: {  	s16 =	ssub.s32 $0x2, s16;
	s15 =	sadd.s32 $0x800, s10;
	[sflag:s9] =	ssyncadd.s32 $0xFFFFE000  }
0x22: {  	[hbm4b:s15+s2] =	stream.linear.scatter [tilespmem:s7], [sflag:$0x3], $0x2000, $0x38;
	[tilespmem:$0x4200] =	vst v63  }
0x23: {  	s17 =	sshrl.u32 s16, $0x1;
	_ =	swait.ge [sflag:s3], $0x2000  }
0x24: {  	s16 =	ssub.s32 s16, s17;
	[sflag:s3] =	ssyncset.done $0x0  }
0x25: {  	s17 =	smax.u32 s16, $0x1;
	[sflag:s3] =	ssyncadd.s32 $0xFFFFE000  }
0x26: {  	p0 =	sne.s32 s17, $0x1;
	_ =	swait.ge [sflag:s12], $0x2000  }
.Ltmp0:
0x27: {  	[sflag:s12] =	ssyncset.done $0x0;
	(pc) =	sbr.rel @!p0 .LBB2_2-.Ltmp0, $4  }
0x28: {  	s16 =	sadd.s32 $0xC00, s10;
	[sflag:s12] =	ssyncadd.s32 $0xFFFFE000  }
0x29: {  	[hbm4b:s16+s2] =	stream.linear.scatter [tilespmem:s8], [sflag:$0x3], $0x2000, $0x38;
	[tilespmem:$0x4200] =	vst v63  }
0x2a: {  	_ =	swait.ge [sflag:s3], $0x2000  }
0x2b: {  	s17 =	sadd.s32 $0xFFFFFFFF, s17;
	[sflag:s3] =	ssyncset.done $0x0  }
.LBB2_1:
0x2c: {  	p0 =	sne.s32 s17, $0x1;
	s17 =	sadd.s32 $0xFFFFFFFF, s17;
	[sflag:s3] =	ssyncadd.s32 $0xFFFFE000  }
0x2d: {  	[tilespmem:s2], [sflag:$0x3] =	stream.linear.gather [hbm4b:s4+s2], $0x200, $0x38;
	[tilespmem:$0x4200] =	vst v63  }
0x2e: {  	_ =	swait.ge [sflag:s3], $0x200  }
0x2f: {  	[sflag:s3] =	ssyncset.done $0x0  }
0x30: {  	[sflag:s3] =	ssyncadd.s32 $0xFFFFFE00  }
0x31: {  	[tilespmem:s7], [sflag:$0x1] =	stream.indirect.gather [hbm4b:s5+s6], $0x40, s2, s6, $0xb8;
	[tilespmem:$0x4200] =	vst v63  }
0x32: {  	_ = 	snop  }
0x33: {  	[tilespmem:s8], [sflag:$0x2] =	stream.indirect.gather [hbm4b:s5+s6], $0x40, s6, s6, $0xb8;
	[tilespmem:$0x4200] =	vst v63  }
0x34: {  	_ =	swait.ge [sflag:s9], $0x2000  }
0x35: {  	[sflag:s9] =	ssyncset.done $0x0  }
0x36: {  	[sflag:s9] =	ssyncadd.s32 $0xFFFFE000  }
0x37: {  	[hbm4b:s10+s2] =	stream.linear.scatter [tilespmem:s7], [sflag:$0x3], $0x2000, $0x38;
	[tilespmem:$0x4200] =	vst v63  }
0x38: {  	_ =	swait.ge [sflag:s3], $0x2000  }
0x39: {  	[sflag:s3] =	ssyncset.done $0x0  }
0x3a: {  	[sflag:s3] =	ssyncadd.s32 $0xFFFFE000  }
0x3b: {  	[tilespmem:s7], [sflag:$0x1] =	stream.indirect.gather [hbm4b:s5+s6], $0x40, s11, s6, $0xb8;
	[tilespmem:$0x4200] =	vst v63  }
0x3c: {  	_ =	swait.ge [sflag:s12], $0x2000  }
0x3d: {  	[sflag:s12] =	ssyncset.done $0x0  }
0x3e: {  	[sflag:s12] =	ssyncadd.s32 $0xFFFFE000  }
0x3f: {  	[hbm4b:s13+s2] =	stream.linear.scatter [tilespmem:s8], [sflag:$0x3], $0x2000, $0x38;
	[tilespmem:$0x4200] =	vst v63  }
0x40: {  	_ =	swait.ge [sflag:s3], $0x2000  }
0x41: {  	[sflag:s3] =	ssyncset.done $0x0  }
0x42: {  	[sflag:s3] =	ssyncadd.s32 $0xFFFFE000  }
0x43: {  	[tilespmem:s8], [sflag:$0x2] =	stream.indirect.gather [hbm4b:s5+s6], $0x40, s14, s6, $0xb8;
	[tilespmem:$0x4200] =	vst v63  }
0x44: {  	_ =	swait.ge [sflag:s9], $0x2000  }
0x45: {  	[sflag:s9] =	ssyncset.done $0x0  }
0x46: {  	[sflag:s9] =	ssyncadd.s32 $0xFFFFE000  }
0x47: {  	[hbm4b:s15+s2] =	stream.linear.scatter [tilespmem:s7], [sflag:$0x3], $0x2000, $0x38;
	[tilespmem:$0x4200] =	vst v63  }
0x48: {  	_ =	swait.ge [sflag:s3], $0x2000  }
0x49: {  	[sflag:s3] =	ssyncset.done $0x0  }
0x4a: {  	[sflag:s3] =	ssyncadd.s32 $0xFFFFE000  }
0x4b: {  	_ =	swait.ge [sflag:s12], $0x2000  }
.Ltmp1:
0x4c: {  	[sflag:s12] =	ssyncset.done $0x0;
	(pc) =	sbr.rel @p0 .LBB2_1-.Ltmp1, $4  }
0x4d: {  	[sflag:s12] =	ssyncadd.s32 $0xFFFFE000  }
0x4e: {  	[hbm4b:s16+s2] =	stream.linear.scatter [tilespmem:s8], [sflag:$0x3], $0x2000, $0x38;
	[tilespmem:$0x4200] =	vst v63  }
0x4f: {  	_ =	swait.ge [sflag:s3], $0x2000  }
0x50: {  	[sflag:s3] =	ssyncset.done $0x0  }
.LBB2_2:
0x51: {  	[sflag:s3] =	ssyncadd.s32 $0xFFFFE000  }
0x52: {  	_ =	sfence.sel $0x180000  }
0x53: {  	[bflag:$0x0] =	sbarrier.arrive $0xFFFF  }
0x54: {  	p0 =	sne.s32 s0, $0x0;
	_ =	strace $0x9000004A  }
0x55: {  	s0 =	sadd.s32 @!p0 $0x100000, s1;
	[bflag:$0x2] =	sbarrier.arrive $0xFFFF  }
0x56: {  	[sflag:s0] =	ssyncadd.tile.s32 @!p0 $0x1;
	_ =	shalt  }
.Lfunc_end2:
_tile_overlayer_lowered:
.L_overlay_start_2:
0x57: {  	(tag) =	ssettag $0x2  }
0x58: {  	s0 =	rddreg [dreg:$0x0];
	s2 =	stileid.u32  }
0x59: {  	s1 =	rddreg [dreg:$0x1];
	p0 =	sne.s32 s2, $0x0  }
0x5a: {  	s3 =	rddreg [dreg:$0x2];
	[bflag:$0x3] =	sbarrier.arrive $0xFFFF;
	s2 =	simm.s32 @!p0 $0x1C03  }
0x5b: {  	[timem:s3], [sflag:s2] =	dma.local @!p0 [hbm:s0], s1  }
0x5c: {  	s0 =	simm.s32 @!p0 $0x3  }
0x5d: {  	_ =	swait.ge @!p0 [sflag:s0], s1  }
0x5e: {  	s1 =	ssub.s32 @!p0 $0x0, s1;
	[sflag:s0] =	ssyncset.done @!p0 $0x0  }
0x5f: {  	[sflag:s0] =	ssyncadd.s32 @!p0 s1  }
0x60: {  	[bflag:$0x3] =	sbarrier.arrive $0xFFFF  }
0x61: {  	_ =	shalt  }

// kernel: sparse-core-data-format-call.cloned.1.call-start
scs
called_computation_lowered:
.L_overlay_start_0:
0x0: {  	s2 =	sld [smem:$0x3FD9]  }
0x1: {  	s3 =	sld [smem:$0x3FFE];
	_ =	sdelay $0x1  }
0x2: {  	s1 =	srdreg.scid  }
0x3: {  	s0 =	sand.u32 $0x1, s1  }
0x4: {  	s16 =	sshll.u32 s0, $0xA;
	s2 =	sadd.s32 s3, s2  }
0x5: {  	s2 =	sadd.s32 s2, s16  }
0x6: {  	[smem:$0x3FC4] =	sst s2  }
0x7: {  	_ = 	snop  }
0x8: {  	s2 =	sld [smem:$0x3FD0];
	_ =	sdelay $0x2  }
0x9: {  	s17 =	simm.s32 $0xB;
	s4 =	simm.s32 $0x10  }
0xa: {  	[smem:s4], [sflag:s17] =	dma.local [hbm:s2], $0x1  }
0xb: {  	_ =	swait.eq [sflag:s17], $0x1  }
0xc: {  	[sflag:s17] =	ssyncset.done $0x0  }
0xd: {  	[sflag:s17] =	ssyncadd.s32 $0xFFFFFFFF  }
0xe: {  	s18 =	sld [smem:$0x11];
	(tm) =	ssettm $0x1  }
0xf: {  	s19 =	sld [smem:$0x3FFB];
	_ =	sdelay $0x3  }
0x10: {  	_ =	strace s19  }
0x11: {  	s2 =	sld [smem:$0x3FFC];
	_ =	sdelay $0x3  }
0x12: {  	_ =	strace s2  }
0x13: {  	s2 =	sld [smem:$0x3FFD];
	_ =	sdelay $0x3  }
0x14: {  	_ =	strace s2  }
0x15: {  	_ =	strace $0x8FFFFFFF  }
0x16: {  	s20 =	sld [smem:$0x3FDB];
	_ =	sdelay $0x1  }
0x17: {  	s21 =	simm.s32 $_scs_section_size  }
0x18: {  	s5 =	simm.s32 $_size__tile_overlayer_lowered;
	s6 =	simm.s32 $_tile_overlayer_lowered  }
0x19: {  	s7 =	simm.s32 $0x1BFF;
	s22 =	sshll.u32 s6, $0x1;
	s4 =	sadd.s32 s21, s20  }
0x1a: {  	s23 =	simm.s32 $0x0;
	s5 =	sshll.u32 s5, $0x1;
	s6 =	sadd.s32 s22, s4  }
0x1b: {  	[timem:s23], [sflag:s7] =	dma.local [hbm:s6], s5  }
0x1c: {  	_ =	swait.ge [sflag:s7], s5  }
0x1d: {  	s5 =	ssub.s32 $0x0, s5;
	[sflag:s7] =	ssyncset.done $0x0  }
0x1e: {  	[sflag:s7] =	ssyncadd.s32 s5;
	_ =	sdelay $0x1  }
0x1f: {  	s24 =	simm.s32 $0x1B8B  }
0x20: {  	_ =	swait.ge [sflag:s24], $0x1  }
0x21: {  	[sflag:s24] =	ssyncset.done $0x0  }
0x22: {  	[sflag:s24] =	ssyncadd.s32 $0xFFFFFFFF  }
0x23: {  	s5 =	sld [smem:$0x0]  }
0x24: {  	s6 =	sand.u32 $0xFFFFFFFE, s1  }
0x25: {  	p0 =	sne.s32 s1, s6  }
0x26: {  	s6 =	sshll.u32 @p0 s6, $0xE  }
0x27: {  	s6 =	sadd.s32 @p0 $0x11B8D, s6;
	s7 =	sshll.u32 @p0 s5, $0x11  }
0x28: {  	s6 =	sor.u32 @p0 s7, s6  }
0x29: {  	[sflag:s6] =	ssyncadd.remote.s32 @p0 $0x1;
	_ =	sdelay $0x1  }
0x2a: {  	s6 =	simm.s32 @p0 $0x1B8D  }
0x2b: {  	_ =	swait.eq @p0 [sflag:s6], $0x1  }
0x2c: {  	[sflag:s6] =	ssyncadd.s32 @p0 $0xFFFFFFFF  }
0x2d: {  	s7 =	sshll.u32 @!p0 s1, $0xE  }
0x2e: {  	s7 =	sor.u32 @!p0 $0x4000, s7;
	s6 =	simm.s32 @!p0 $0x1B8D  }
0x2f: {  	s5 =	sshll.u32 @!p0 s5, $0x11;
	s7 =	sadd.s32 @!p0 $0x11B8D, s7;
	_ =	swait.eq @!p0 [sflag:s6], $0x1  }
0x30: {  	s5 =	sor.u32 @!p0 s5, s7;
	[sflag:s6] =	ssyncadd.s32 @!p0 $0xFFFFFFFF  }
0x31: {  	s26 =	simm.s32 $0x1B8E;
	s25 =	sld [smem:$0x3FFE];
	[sflag:s5] =	ssyncadd.remote.s32 @!p0 $0x1  }
0x32: {  	s27 =	simm.s32 $execute0_lowered;
	[smem:$0x3FD2] =	sst s26  }
0x33: {  	s6 =	sshll.u32 s27, $0x1;
	_ =	strace $0x8000004C;
	[dreg:$0x1] =	wrdreg $0xFFFFFFFF  }
0x34: {  	s28 =	simm.s32 $_size_execute0_lowered;
	s4 =	sadd.s32 s4, s6;
	[dreg:$0x0] =	wrdreg $0x0  }
0x35: {  	s6 =	sshll.u32 s28, $0x1;
	[dreg:$0x2] =	wrdreg s4  }
0x36: {  	[dreg:$0x3] =	wrdreg s6  }
0x37: {  	[dreg:$0x4] =	wrdreg $0xC0  }
0x38: {  	_ =	task [dreg:s23], $0x5FFFF  }
0x39: {  	[dreg:$0x1] =	wrdreg $0xFFFFFFFF  }
0x3a: {  	[dreg:$0x0] =	wrdreg $0x60  }
0x3b: {  	[dreg:$0x2] =	wrdreg s25  }
0x3c: {  	[dreg:$0x3] =	wrdreg s18  }
0x3d: {  	[dreg:$0x4] =	wrdreg $0xA  }
0x3e: {  	_ =	task.clear_ibuf [dreg:s23], $0x5FFFF;
	_ =	strace $0x9000004C  }
0x3f: {  	s29 =	simm.s32 $0xA;
	_ =	strace $0x8000004E  }
0x40: {  	_ =	swait.ge [sflag:s29], $0x1  }
0x41: {  	[sflag:s29] =	ssyncadd.s32 $0xFFFFFFFF  }
0x42: {  	_ =	strace $0x9000004E  }
0x43: {  	_ =	sfence  }
0x44: {  	s30 =	sld [smem:$0x0];
	_ =	sdelay $0x2  }
0x45: {  	s31 =	sshll.u32 s1, $0xD;
	s1 =	sshrl.u32 s1, $0x2  }
0x46: {  	s4 =	sand.u32 $0x4000, s31;
	s1 =	sadd.s32 s1, s30  }
0x47: {  	s0 =	sor.u32 s4, s0;
	s1 =	sshll.u32 s1, $0x11  }
0x48: {  	s0 =	sor.u32 s1, s0  }
0x49: {  	s0 =	sadd.s32 $0x8F2B, s0  }
0x4a: {  	[sflag:s0] =	ssyncadd.remote.s32 $0x1  }
0x4b: {  	_ =	sfence.sel $0xFFFF  }
0x4c: {  	[dreg:$0x0] =	wrdreg $0xFFFFFFFF;
	(pc) =	sbr.abs _section_cstart, $3  }
0x4d: {  	[dreg:$0x1] =	wrdreg $0xFFFFFFFF  }
0x4e: {  	_ =	task.clear_ibuf [dreg:s23], $0x2FFFF;
	_ =	strace $0x9FFFFFFF  }
0x4f: {  	(tm) =	ssettm $0x7FFFFFFF  }
tec
execute0_lowered:
.L_overlay_start_1:
0x0: {  	(tag) =	ssettag $0x1  }
0x1: {  	s0 =	srdreg.scid  }
0x2: {  	s1 =	sshll.u32 s0, $0x4  }
0x3: {  	s4 =	rddreg [dreg:$0x0];
	s0 =	stileid.u32;
	s1 =	sand.u32 $0x10, s1  }
0x4: {  	s2 =	rddreg [dreg:$0x1];
	s7 =	simm.s32 $0x1;
	s1 =	sor.u32 s0, s1  }
0x5: {  	s8 =	simm.s32 $0x2;
	s11 =	simm.s32 $0x0;
	s3 =	sshll.u32 s1, $0x7  }
0x6: {  	s10 =	simm.s32 $0x0;
	s4 =	sadd.s32 $0xC00, s4;
	s6 =	ssub.s32 $0x50000, s3  }
.Ltmp0:
0x7: {  	s1 =	rddreg [dreg:$0x2];
	s5 =	sand.u32 $0xF80, s6;
	(pc) =	sbr.rel .LBB1_1-.Ltmp0, $4  }
0x8: {  	_ =	strace $0x8000004D;
	s9 =	smov.u32 s3;
	p0 =	sne.s32 s5, $0x0  }
0x9: {  	s6 =	sshrl.u32 s6, $0xC;
	s5 =	simm.s32 $0x1;
	s7 =	simm.s32 @!p0 $0x0  }
0xa: {  	[sflag:s5] =	ssyncpa.u1 $0x0;
	p0 =	por $0x0, $0x0;
	s6 =	sadd.s32 s7, s6  }
0xb: {  	[sflag:s8] =	ssyncpa.u1 $0x0;
	s8 =	simm.s32 $0x280000;
	s7 =	sadd.s32 $0x1, s6  }
.LBB1_4:
0xc: {  	s14 =	sshll.u32 s11, $0x3  }
0xd: {  	s30 =	sand.u32 $0x7F, s11;
	s15 =	sand.u32 $0xFFFFFC00, s14  }
0xe: {  	s11 =	sor.u32 s30, s15  }
0xf: {  	s15 =	smulhi.u32 $0xCCCCCCCD, s11  }
0x10: {  	s14 =	smulhi.u32 $0xCCCCCCCD, s14  }
0x11: {  	s15 =	sshrl.u32 s15, $0x12  }
0x12: {  	s14 =	sshrl.u32 s14, $0x12;
	s15 =	smul.u32 $0x50000, s15  }
0x13: {  	s14 =	sand.u32 $0x3F, s14  }
0x14: {  	s14 =	smul.u32 $0xA000, s14;
	s11 =	ssub.s32 s11, s15  }
0x15: {  	[tilespmem:s13+$0x810 ss:$0x81] =	vst.msk $0xffff, v2;
	s15 =	sand.u32 $0x7, s11  }
0x16: {  	[tilespmem:s13+$0x1020 ss:$0x81] =	vst.msk $0xffff, v0;
	s14 =	sadd.s32 s2, s14;
	s11 =	sshrl.u32 s11, $0x3;
	s15 =	sshll.u32 s15, $0x12  }
0x17: {  	[tilespmem:s13+$0x0 ss:$0x81] =	vst.msk $0xffff, v1;
	s11 =	sadd.s32 s11, s14;
	s31 =	sor.u32 $0x400, s15  }
0x18: {  	[hbm4b:s11+s31] =	stream.strided.scatter [tilespmem:s12], [sflag:$0x2], $0x2000, s8, s31, $0x20;
	[tilespmem:$0x8080] =	vst v63  }
.LBB1_5:
0x19: {  	s13 =	sadd.s32 $0x1000, s9  }
0x1a: {  	p2 =	sgt.s32 s13, $0x4FFFF  }
0x1b: {  	s13 =	smov.u32 @p2 s3;
	p2 =	sne.s32 s10, s7  }
.Ltmp1:
0x1c: {  	p1 =	slt.u32 s10, $0x2;
	(pc) =	sbr.rel @!p2 .LBB1_6-.Ltmp1, $4  }
0x1d: {  	s12 =	simm.s32 @!p1 $0x2  }
0x1e: {  	s14 =	sadd.s32 $0x1, s10;
	_ =	swait.ge @!p1 [sflag:s12], $0x2000  }
0x1f: {  	s11 =	smov.u32 s9;
	p0 =	por !p0, !p0;
	[sflag:s12] =	ssyncset.done @!p1 $0x0  }
0x20: {  	s10 =	smov.u32 s14;
	s9 =	smov.u32 s13;
	[sflag:s12] =	ssyncadd.s32 @!p1 $0xFFFFE000  }
.LBB1_1:
0x21: {  	p1 =	sge.u32 s10, s6  }
0x22: {  	s12 =	sand.u32 @!p1 $0x1FFFFFF, s9  }
0x23: {  	s13 =	smulhi.u32 @!p1 $0xCCCCCD, s12;
	_ =	sdelay $0x1  }
0x24: {  	s13 =	sshrl.u32 @!p1 s13, $0xA  }
0x25: {  	s13 =	smul.u32 @!p1 $0x50000, s13;
	_ =	sdelay $0x1  }
0x26: {  	s31 =	sadd.s32 $0xFFFFFFFF, s10;
	s14 =	sxor.u32 @!p1 $0xFFFFFFFF, s10;
	s12 =	ssub.s32 @!p1 s12, s13  }
0x27: {  	s15 =	simm.s32 @!p1 $0x80;
	s14 =	sshll.u32 @!p1 s14, $0xD;
	s12 =	sshll.u32 @!p1 s12, $0x4  }
0x28: {  	s13 =	sand.u32 @!p1 $0x2000, s14;
	s14 =	simm.s32 @!p1 $0x40;
	s12 =	sadd.s32 @!p1 s4, s12  }
0x29: {  	[tilespmem:s13], [sflag:$0x1] =	stream.strided.gather @!p1 [hbm4b:s12+s14], $0x2000, s15, s14, $0x38;
	[tilespmem:$0x8080] =	vst v63  }
0x2a: {  	p1 =	sge.u32 s31, s6  }
.Ltmp2:
0x2b: {  	_ = 	snop;
	(pc) =	sbr.rel @p1 .LBB1_5-.Ltmp2, $1  }
0x2c: {  	_ =	sdelay $0x3  }
0x2d: {  	s12 =	simm.s32 $0x1  }
0x2e: {  	_ =	swait.ge [sflag:s5], $0x2000;
	s12 =	simm.s32 @!p0 $0x0  }
0x2f: {  	[sflag:s5] =	ssyncset.done $0x0;
	s13 =	sshll.u32 s12, $0xD  }
0x30: {  	[sflag:s5] =	ssyncadd.s32 $0xFFFFE000;
	s16 =	sor.u32 $0x20, s13  }
0x31: {  	s12 =	smul.u32 $0x8100, s12;
	v3 =	vld [tilespmem:s16+$0x10]  }
0x32: {  	s30 =	sand.u32 $0x1, s10;
	v2 =	vld [tilespmem:s16+$0xFFFFFFF0]  }
0x33: {  	s13 =	smul.u32 $0x8100, s30;
	s12 =	sshrl.u32 s12, $0x2;
	v0 =	vld [tilespmem:s16+$0x0]  }
0x34: {  	v1 =	vld [tilespmem:s16+$0xFFFFFFE0];
	s14 =	sor.u32 $0x4000, s12  }
0x35: {  	s31 =	sshrl.u32 s13, $0x2;
	s13 =	sadd.s32 $0x0, s14  }
0x36: {  	s15 =	simm.s32 $0x4;
	s16 =	sadd.s32 $0x40, s16;
	s12 =	sor.u32 $0x4000, s31;
	[tilespmem:s13+$0x1830 ss:$0x81] =	vst.msk $0xffff, v3  }
.LBB1_3:
0x37: {  	v3 =	vld [tilespmem:s16+$0x10];
	p1 =	sne.s32 s15, $0x1FC;
	[tilespmem:s13+$0x810 ss:$0x81] =	vst.msk $0xffff, v2;
	s17 =	smov.u32 s15;
	s15 =	sadd.s32 $0x4, s15  }
.Ltmp3:
0x38: {  	v2 =	vld [tilespmem:s16+$0xFFFFFFF0];
	[tilespmem:s13+$0x1020 ss:$0x81] =	vst.msk $0xffff, v0;
	(pc) =	sbr.rel @p1 .LBB1_3-.Ltmp3, $4  }
0x39: {  	v0 =	vld [tilespmem:s16+$0x0];
	[tilespmem:s13+$0x0 ss:$0x81] =	vst.msk $0xffff, v1  }
0x3a: {  	s13 =	sshra.s32 s17, $0x2;
	v1 =	vld [tilespmem:s16+$0xFFFFFFE0]  }
0x3b: {  	s13 =	sadd.s32 s13, s14  }
0x3c: {  	s16 =	sadd.s32 $0x40, s16;
	[tilespmem:s13+$0x1830 ss:$0x81] =	vst.msk $0xffff, v3  }
.Ltmp4:
0x3d: {  	_ = 	snop;
	(pc) =	sbr.rel .LBB1_4-.Ltmp4, $1  }
0x3e: {  	_ =	sdelay $0x3  }
.LBB1_6:
0x3f: {  	_ =	sfence.sel $0x180000  }
0x40: {  	s2 =	simm.s32 $0x1;
	[bflag:$0x0] =	sbarrier.arrive $0xFFFF  }
0x41: {  	s31 =	simm.s32 $0x2;
	[sflag:s2] =	ssyncpa.u1 $0x1  }
0x42: {  	[sflag:s31] =	ssyncpa.u1 $0x1  }
0x43: {  	p0 =	sne.s32 s0, $0x0;
	_ =	strace $0x9000004D  }
0x44: {  	s0 =	sadd.s32 @!p0 $0x100000, s1;
	[bflag:$0x2] =	sbarrier.arrive $0xFFFF  }
0x45: {  	[sflag:s0] =	ssyncadd.tile.s32 @!p0 $0x1;
	_ =	shalt  }
.Lfunc_end1:
_tile_overlayer_lowered:
.L_overlay_start_2:
0x46: {  	(tag) =	ssettag $0x2  }
0x47: {  	s0 =	rddreg [dreg:$0x0];
	s2 =	stileid.u32  }
0x48: {  	s1 =	rddreg [dreg:$0x1];
	p0 =	sne.s32 s2, $0x0  }
0x49: {  	s3 =	rddreg [dreg:$0x2];
	[bflag:$0x3] =	sbarrier.arrive $0xFFFF;
	s2 =	simm.s32 @!p0 $0x1C01  }
0x4a: {  	[timem:s3], [sflag:s2] =	dma.local @!p0 [hbm:s0], s1  }
0x4b: {  	s0 =	simm.s32 @!p0 $0x1  }
0x4c: {  	_ =	swait.ge @!p0 [sflag:s0], s1  }
0x4d: {  	s1 =	ssub.s32 @!p0 $0x0, s1;
	[sflag:s0] =	ssyncset.done @!p0 $0x0  }
0x4e: {  	[sflag:s0] =	ssyncadd.s32 @!p0 s1  }
0x4f: {  	[bflag:$0x3] =	sbarrier.arrive $0xFFFF  }
0x50: {  	_ =	shalt  }

</sc_bundles>
